<compile_context>
chip_gen: v7x
topology: tpu7x:2x2x1
jax: 0.10.2.dev20260603
libtpu: 0.0.44.dev20260713+nightly
codegen_flags: <defaults>
</compile_context>

<pallas_src>
import functools

import jax
import jax.numpy as jnp
from jax import lax
from jax.experimental import pallas as pl
from jax.experimental.pallas import tpu as pltpu
from jax.experimental.pallas import tpu_sc as plsc

N_NODES = 10000
N_EDGES = 160000
D = 256
DH = 128

NC = 2
NS = 16
BLK = 128
NB = 80
EDGES_PAD = NS * NB * BLK
STRIPE = 624
TAIL = N_NODES - NS * STRIPE
ACC_ROWS = N_NODES + 8

MM_BLK = 1000



def _mm_body(x_ref, w_ref, o_ref):
    o_ref[...] = jnp.dot(x_ref[...], w_ref[...],
                         preferred_element_type=jnp.float32)


def _mm_split(x, wt):
    return pl.pallas_call(
        _mm_body,
        grid=(N_NODES // MM_BLK, 2),
        in_specs=[
            pl.BlockSpec((MM_BLK, D), lambda i, j: (i, 0)),
            pl.BlockSpec((D, DH), lambda i, j: (0, j)),
        ],
        out_specs=pl.BlockSpec((MM_BLK, DH),
                               lambda i, j: (j * (N_NODES // MM_BLK) + i, 0)),
        out_shape=jax.ShapeDtypeStruct((2 * N_NODES, DH), jnp.float32),
    )(x, wt)


def _relu_mm_body(a_ref, b_ref, w_ref, o_ref):
    x = jnp.concatenate([a_ref[...], b_ref[...]], axis=1)
    x = jnp.maximum(x, 0.0)
    o_ref[...] = jnp.dot(x, w_ref[...], preferred_element_type=jnp.float32)


def _relu_mm_split(h_split, wt):
    nrb = N_NODES // MM_BLK
    return pl.pallas_call(
        _relu_mm_body,
        grid=(nrb, 2),
        in_specs=[
            pl.BlockSpec((MM_BLK, DH), lambda i, j: (i, 0)),
            pl.BlockSpec((MM_BLK, DH), lambda i, j: (i + nrb, 0)),
            pl.BlockSpec((D, DH), lambda i, j: (0, j)),
        ],
        out_specs=pl.BlockSpec((MM_BLK, DH), lambda i, j: (j * nrb + i, 0)),
        out_shape=jax.ShapeDtypeStruct((2 * N_NODES, DH), jnp.float32),
    )(h_split, h_split, wt)



def _seg_sum_sc(y_split, src_pad, dst_pad, init_split, direct_out=False):
    mesh = plsc.VectorSubcoreMesh(core_axis_name="c", subcore_axis_name="s")
    out_ty = (jax.ShapeDtypeStruct((N_NODES, D), jnp.float32) if direct_out
              else jax.ShapeDtypeStruct((2 * N_NODES, DH), jnp.float32))

    @functools.partial(
        pl.kernel,
        out_type=out_ty,
        mesh=mesh,
        scratch_types=[
            pltpu.VMEM_SHARED((ACC_ROWS, DH), jnp.float32),
            pltpu.VMEM((NB * BLK,), jnp.int32),
            pltpu.VMEM((BLK,), jnp.int32),
            pltpu.VMEM((BLK,), jnp.int32),
            pltpu.VMEM((BLK, DH), jnp.float32),
            pltpu.VMEM((BLK, DH), jnp.float32),
            pltpu.SemaphoreType.DMA,
            pltpu.SemaphoreType.DMA,
            pltpu.SemaphoreType.DMA,
            pltpu.SemaphoreType.DMA,
        ],
    )
    def seg_kernel(y_hbm, src_hbm, dst_hbm, init_hbm, out_hbm,
                   acc, sidx, didx0, didx1, rows0, rows1,
                   semg0, semg1, semi0, semi1):
        c = lax.axis_index("c")
        s = lax.axis_index("s")
        base_row = c * N_NODES + s * STRIPE
        pltpu.sync_copy(init_hbm.at[pl.ds(base_row, STRIPE)],
                        acc.at[pl.ds(s * STRIPE, STRIPE)])

        @pl.when(s == NS - 1)
        def _init_tail():
            pltpu.sync_copy(init_hbm.at[pl.ds(c * N_NODES + NS * STRIPE, TAIL)],
                            acc.at[pl.ds(NS * STRIPE, TAIL)])

        pltpu.sync_copy(src_hbm.at[pl.ds(s * NB * BLK, NB * BLK)], sidx)
        row_off = c * N_NODES

        @pl.loop(0, NB * BLK // 16)
        def _shift(k):
            sl = pl.ds(k * 16, 16)
            sidx[sl] = sidx[sl] + row_off

        plsc.subcore_barrier()

        dbase = s * NB * BLK

        def start_didx(b, dbuf, sem):
            pltpu.make_async_copy(dst_hbm.at[pl.ds(dbase + b * BLK, BLK)],
                                  dbuf, sem).start()

        def wait_didx(dbuf, sem):
            pltpu.make_async_copy(dst_hbm.at[pl.ds(dbase, BLK)],
                                  dbuf, sem).wait()

        def start_gather(b, buf, sem):
            pltpu.make_async_copy(
                y_hbm.at[sidx.at[pl.ds(b * BLK, BLK)]], buf, sem).start()

        def wait_gather(buf, sem):
            pltpu.make_async_copy(
                y_hbm.at[sidx.at[pl.ds(0, BLK)]], buf, sem).wait()

        def scatter_add(buf, dbuf):
            pltpu.sync_copy(buf, acc.at[dbuf], add=True)

        start_didx(0, didx0, semi0)
        start_gather(0, rows0, semg0)
        start_didx(1, didx1, semi1)

        @pl.loop(0, NB - 2, step=2)
        def _blocks(b):
            start_gather(b + 1, rows1, semg1)
            wait_gather(rows0, semg0)
            wait_didx(didx0, semi0)
            scatter_add(rows0, didx0)
            start_didx(b + 2, didx0, semi0)
            start_gather(b + 2, rows0, semg0)
            wait_gather(rows1, semg1)
            wait_didx(didx1, semi1)
            scatter_add(rows1, didx1)
            start_didx(b + 3, didx1, semi1)

        start_gather(NB - 1, rows1, semg1)
        wait_gather(rows0, semg0)
        wait_didx(didx0, semi0)
        scatter_add(rows0, didx0)
        wait_gather(rows1, semg1)
        wait_didx(didx1, semi1)
        scatter_add(rows1, didx1)

        plsc.subcore_barrier()
        if direct_out:
            pltpu.sync_copy(acc.at[pl.ds(s * STRIPE, STRIPE)],
                            out_hbm.at[pl.ds(s * STRIPE, STRIPE),
                                       pl.ds(c * DH, DH)])

            @pl.when(s == NS - 1)
            def _out_tail():
                pltpu.sync_copy(acc.at[pl.ds(NS * STRIPE, TAIL)],
                                out_hbm.at[pl.ds(NS * STRIPE, TAIL),
                                           pl.ds(c * DH, DH)])
        else:
            pltpu.sync_copy(acc.at[pl.ds(s * STRIPE, STRIPE)],
                            out_hbm.at[pl.ds(base_row, STRIPE)])

            @pl.when(s == NS - 1)
            def _out_tail():
                pltpu.sync_copy(acc.at[pl.ds(NS * STRIPE, TAIL)],
                                out_hbm.at[pl.ds(c * N_NODES + NS * STRIPE,
                                                 TAIL)])

    return seg_kernel(y_split, src_pad, dst_pad, init_split)


def _bias_init(b):
    return jnp.concatenate([
        jnp.broadcast_to(b[None, :DH], (N_NODES, DH)),
        jnp.broadcast_to(b[None, DH:], (N_NODES, DH)),
    ], axis=0)



def kernel(features, edge_index, W1, b1, W2, b2):
    src = edge_index[0].astype(jnp.int32)
    dst = edge_index[1].astype(jnp.int32)
    pad = EDGES_PAD - N_EDGES
    src_pad = jnp.concatenate([src, jnp.zeros((pad,), jnp.int32)])
    dst_pad = jnp.concatenate([dst, jnp.full((pad,), N_NODES, jnp.int32)])

    y1 = _mm_split(features, W1.T)
    h1 = _seg_sum_sc(y1, src_pad, dst_pad, _bias_init(b1))
    y2 = _relu_mm_split(h1, W2.T)
    return _seg_sum_sc(y2, src_pad, dst_pad, _bias_init(b2),
                       direct_out=True)

# --- scband reference (transcript-rebuilt; emitter-appended) ---
"""Pipeline reference for scband-simple-gcn-48249662603740 (READ-ONLY COPY).

The authoritative reference and input builder live on the scoring server;
editing this copy changes nothing except your own understanding.
"""

import jax, jax.numpy as jnp
import numpy as np

N_NODES = 10000
N_EDGES = 160000
IN_FEATS = 256
HIDDEN_FEATS = 256
OUT_FEATS = 256

def setup_inputs(seed: int = 0) -> dict:
    key = jax.random.key(seed)
    k1, k2, k3, k4, k5, k6 = jax.random.split(key, 6)
    features = jax.random.normal(k1, (N_NODES, IN_FEATS), dtype=jnp.float32)
    edge_index = jax.random.randint(k2, (2, N_EDGES), 0, N_NODES, dtype=jnp.int64)
    # Linear layers (torch nn.Linear layout: weight [out, in], bias [out]).
    # Original module uses constant-1 init; we use scaled randn for numerical sanity,
    # the math (matmul + bias) is identical.
    W1 = jax.random.normal(k3, (HIDDEN_FEATS, IN_FEATS), dtype=jnp.float32) * 0.02
    b1 = jax.random.normal(k4, (HIDDEN_FEATS,), dtype=jnp.float32) * 0.02
    W2 = jax.random.normal(k5, (OUT_FEATS, HIDDEN_FEATS), dtype=jnp.float32) * 0.02
    b2 = jax.random.normal(k6, (OUT_FEATS,), dtype=jnp.float32) * 0.02
    return {"features": features, "edge_index": edge_index, "W1": W1, "b1": b1, "W2": W2, "b2": b2}

def reference(features, edge_index, W1, b1, W2, b2):
    src = edge_index[0]
    dst = edge_index[1]
    # update_all(copy_u('h','m'), sum('m','h')): h_new[dst] = sum over in-edges of h[src]
    h = jax.ops.segment_sum(features[src], dst, num_segments=N_NODES)
    h = h @ W1.T + b1
    h = jax.nn.relu(h)
    h = jax.ops.segment_sum(h[src], dst, num_segments=N_NODES)
    h = h @ W2.T + b2
    return h

if __name__ == "__main__":
    import jax
    _d = setup_inputs()
    print(jax.jit(kernel)(*tuple(_d.values())))

</pallas_src>

<mosaic_0001>
#map = affine_map<(d0, d1) -> (0, 0)>
#map1 = affine_map<(d0, d1) -> (0)>
module attributes {stable_mosaic.version = 14 : i64} {
  func.func @seg_kernel(%arg0: i32, %arg1: i32, %arg2: memref<20000x128xf32, #tpu.memory_space<hbm>>, %arg3: memref<163840xi32, #tpu.memory_space<hbm>>, %arg4: memref<163840xi32, #tpu.memory_space<hbm>>, %arg5: memref<20000x128xf32, #tpu.memory_space<hbm>>, %arg6: memref<20000x128xf32, #tpu.memory_space<hbm>>, %arg7: memref<10008x128xf32, #tpu.memory_space<vmem_shared>>, %arg8: memref<10240xi32, #tpu.memory_space<vmem>>, %arg9: memref<128xi32, #tpu.memory_space<vmem>>, %arg10: memref<128xi32, #tpu.memory_space<vmem>>, %arg11: memref<128x128xf32, #tpu.memory_space<vmem>>, %arg12: memref<128x128xf32, #tpu.memory_space<vmem>>, %arg13: memref<!tpu.dma_semaphore, #tpu.memory_space<semaphore_mem>>, %arg14: memref<!tpu.dma_semaphore, #tpu.memory_space<semaphore_mem>>, %arg15: memref<!tpu.dma_semaphore, #tpu.memory_space<semaphore_mem>>, %arg16: memref<!tpu.dma_semaphore, #tpu.memory_space<semaphore_mem>>) attributes {dimension_semantics = [#tpu.dimension_semantics<core_parallel>, #tpu.dimension_semantics<subcore_parallel>], iteration_bounds = array<i64: 2, 16>, scalar_prefetch = 0 : i64, scratch_operands = 10 : i64, tpu.core_type = #tpu.core_type<sc_vector_subcore>, window_params = [{transform_indices = #map}, {transform_indices = #map1}, {transform_indices = #map1}, {transform_indices = #map}, {transform_indices = #map}]} {
    %mul3A = arith.constant 10000 : i32
    %mul3A_0 = arith.muli %arg0, %mul3A : i32
    %mul3A_1 = arith.constant 624 : i32
    %mul3A_2 = arith.muli %arg1, %mul3A_1 : i32
    %add3A = arith.addi %mul3A_0, %mul3A_2 : i32
    %mul3A_3 = arith.constant 624 : i32
    %mul3A_4 = arith.muli %arg1, %mul3A_3 : i32
    "tpu.region"() ({
      %run_scoped3A = tpu.sem_alloc : memref<!tpu.dma_semaphore, #tpu.memory_space<semaphore_mem>>
      %dma_start3A_64 = arith.constant 0 : i32
      %dma_start3A_65 = tpu.memref_slice %arg7[%mul3A_4, %dma_start3A_64] : memref<10008x128xf32, #tpu.memory_space<vmem_shared>> -> memref<624x128xf32, #tpu.memory_space<vmem_shared>>
      %dma_start3A_66 = arith.constant 0 : i32
      %dma_start3A_67 = tpu.memref_slice %arg5[%add3A, %dma_start3A_66] : memref<20000x128xf32, #tpu.memory_space<hbm>> -> memref<624x128xf32, #tpu.memory_space<hbm>>
      tpu.enqueue_dma source(%dma_start3A_67 : memref<624x128xf32, #tpu.memory_space<hbm>>) target(%dma_start3A_65 : memref<624x128xf32, #tpu.memory_space<vmem_shared>>) target_semaphore(%run_scoped3A : memref<!tpu.dma_semaphore, #tpu.memory_space<semaphore_mem>>)
      %dma_wait3A_68 = arith.constant 0 : i32
      %dma_wait3A_69 = tpu.memref_slice %arg7[%mul3A_4, %dma_wait3A_68] : memref<10008x128xf32, #tpu.memory_space<vmem_shared>> -> memref<624x128xf32, #tpu.memory_space<vmem_shared>>
      %dma_wait3A_70 = arith.constant 0 : i32
      %dma_wait3A_71 = tpu.memref_slice %arg5[%add3A, %dma_wait3A_70] : memref<20000x128xf32, #tpu.memory_space<hbm>> -> memref<624x128xf32, #tpu.memory_space<hbm>>
      tpu.wait_dma2 semaphore(%run_scoped3A : memref<!tpu.dma_semaphore, #tpu.memory_space<semaphore_mem>>) src(%dma_wait3A_71 : memref<624x128xf32, #tpu.memory_space<hbm>>) dst(%dma_wait3A_69 : memref<624x128xf32, #tpu.memory_space<vmem_shared>>)
      tpu.yield
    }) : () -> ()
    %eq3A = arith.constant 15 : i32
    %eq3A_5 = arith.cmpi eq, %arg1, %eq3A : i32
    %convert_element_type3A = arith.extui %eq3A_5 : i1 to i32
    %cond3A = arith.constant 0 : i32
    %cond3A_6 = arith.cmpi ne, %convert_element_type3A, %cond3A : i32
    scf.if %cond3A_6 {
      %mul3A_64 = arith.constant 10000 : i32
      %mul3A_65 = arith.muli %arg0, %mul3A_64 : i32
      %add3A_66 = arith.constant 9984 : i32
      %add3A_67 = arith.addi %mul3A_65, %add3A_66 : i32
      "tpu.region"() ({
        %run_scoped3A = tpu.sem_alloc : memref<!tpu.dma_semaphore, #tpu.memory_space<semaphore_mem>>
        %dma_start3A_68 = arith.constant 9984 : i32
        %dma_start3A_69 = arith.constant 0 : i32
        %dma_start3A_70 = tpu.memref_slice %arg7[%dma_start3A_68, %dma_start3A_69] : memref<10008x128xf32, #tpu.memory_space<vmem_shared>> -> memref<16x128xf32, #tpu.memory_space<vmem_shared>>
        %dma_start3A_71 = arith.constant 0 : i32
        %dma_start3A_72 = tpu.memref_slice %arg5[%add3A_67, %dma_start3A_71] : memref<20000x128xf32, #tpu.memory_space<hbm>> -> memref<16x128xf32, #tpu.memory_space<hbm>>
        tpu.enqueue_dma source(%dma_start3A_72 : memref<16x128xf32, #tpu.memory_space<hbm>>) target(%dma_start3A_70 : memref<16x128xf32, #tpu.memory_space<vmem_shared>>) target_semaphore(%run_scoped3A : memref<!tpu.dma_semaphore, #tpu.memory_space<semaphore_mem>>)
        %dma_wait3A_73 = arith.constant 9984 : i32
        %dma_wait3A_74 = arith.constant 0 : i32
        %dma_wait3A_75 = tpu.memref_slice %arg7[%dma_wait3A_73, %dma_wait3A_74] : memref<10008x128xf32, #tpu.memory_space<vmem_shared>> -> memref<16x128xf32, #tpu.memory_space<vmem_shared>>
        %dma_wait3A_76 = arith.constant 0 : i32
        %dma_wait3A_77 = tpu.memref_slice %arg5[%add3A_67, %dma_wait3A_76] : memref<20000x128xf32, #tpu.memory_space<hbm>> -> memref<16x128xf32, #tpu.memory_space<hbm>>
        tpu.wait_dma2 semaphore(%run_scoped3A : memref<!tpu.dma_semaphore, #tpu.memory_space<semaphore_mem>>) src(%dma_wait3A_77 : memref<16x128xf32, #tpu.memory_space<hbm>>) dst(%dma_wait3A_75 : memref<16x128xf32, #tpu.memory_space<vmem_shared>>)
        tpu.yield
      }) : () -> ()
    } else {
    }
    %mul3A_7 = arith.constant 80 : i32
    %mul3A_8 = arith.muli %arg1, %mul3A_7 : i32
    %mul3A_9 = arith.constant 128 : i32
    %mul3A_10 = arith.muli %mul3A_8, %mul3A_9 : i32
    "tpu.region"() ({
      %run_scoped3A = tpu.sem_alloc : memref<!tpu.dma_semaphore, #tpu.memory_space<semaphore_mem>>
      %dma_start3A_64 = tpu.memref_slice %arg3[%mul3A_10] : memref<163840xi32, #tpu.memory_space<hbm>> -> memref<10240xi32, #tpu.memory_space<hbm>>
      %dma_start3A_65 = tpu.memref_slice %arg3[%mul3A_10] : memref<163840xi32, #tpu.memory_space<hbm>> -> memref<10240xi32, #tpu.memory_space<hbm>>
      tpu.enqueue_dma source(%dma_start3A_65 : memref<10240xi32, #tpu.memory_space<hbm>>) target(%arg8 : memref<10240xi32, #tpu.memory_space<vmem>>) target_semaphore(%run_scoped3A : memref<!tpu.dma_semaphore, #tpu.memory_space<semaphore_mem>>)
      %dma_wait3A_66 = tpu.memref_slice %arg3[%mul3A_10] : memref<163840xi32, #tpu.memory_space<hbm>> -> memref<10240xi32, #tpu.memory_space<hbm>>
      %dma_wait3A_67 = tpu.memref_slice %arg3[%mul3A_10] : memref<163840xi32, #tpu.memory_space<hbm>> -> memref<10240xi32, #tpu.memory_space<hbm>>
      tpu.wait_dma2 semaphore(%run_scoped3A : memref<!tpu.dma_semaphore, #tpu.memory_space<semaphore_mem>>) src(%dma_wait3A_67 : memref<10240xi32, #tpu.memory_space<hbm>>) dst(%arg8 : memref<10240xi32, #tpu.memory_space<vmem>>)
      tpu.yield
    }) : () -> ()
    %mul3A_11 = arith.constant 10000 : i32
    %mul3A_12 = arith.muli %arg0, %mul3A_11 : i32
    %scan3A = arith.constant 0 : i32
    %scan3A_13 = arith.constant 640 : i32
    %scan3A_14 = arith.addi %scan3A, %scan3A_13 : i32
    %scan3A_15 = arith.constant 1 : i32
    scf.for %scan3A_64 = %scan3A to %scan3A_14 step %scan3A_15  : i32 {
      %mul3A_65 = arith.constant 1 : i32
      %mul3A_66 = arith.muli %scan3A_64, %mul3A_65 : i32
      %add3A_67 = arith.constant 0 : i32
      %add3A_68 = arith.addi %add3A_67, %mul3A_66 : i32
      %mul3A_69 = arith.constant 16 : i32
      %mul3A_70 = arith.muli %add3A_68, %mul3A_69 : i32
      %get3A = arith.index_cast %mul3A_70 : i32 to index
      %get3A_71 = tpu.vector_load %arg8[%get3A] {strides = array<i32>} : memref<10240xi32, #tpu.memory_space<vmem>>, vector<16xi32>,
      %get3A_72 = vector.shape_cast %get3A_71 : vector<16xi32> to vector<16xi32>
      %add3A_73 = vector.broadcast %mul3A_12 : i32 to vector<16xi32>
      %add3A_74 = arith.addi %get3A_72, %add3A_73 : vector<16xi32>
      %swap3A = arith.index_cast %mul3A_70 : i32 to index
      %swap3A_75 = tpu.vector_load %arg8[%swap3A] {strides = array<i32>} : memref<10240xi32, #tpu.memory_space<vmem>>, vector<16xi32>,
      %swap3A_76 = vector.shape_cast %swap3A_75 : vector<16xi32> to vector<16xi32>
      %swap3A_77 = vector.shape_cast %add3A_74 : vector<16xi32> to vector<16xi32>
      tpu.vector_store %arg8[%swap3A], %swap3A_77 {strides = array<i32>} : memref<10240xi32, #tpu.memory_space<vmem>>, vector<16xi32>,
    }
    %scan3A_16 = arith.constant 640 : i32
    %barrier3A = arith.constant 0 : index
    tpu.barrier barrier_id(%barrier3A)
    %mul3A_17 = arith.constant 80 : i32
    %mul3A_18 = arith.muli %arg1, %mul3A_17 : i32
    %mul3A_19 = arith.constant 128 : i32
    %mul3A_20 = arith.muli %mul3A_18, %mul3A_19 : i32
    %add3A_21 = arith.constant 0 : i32
    %add3A_22 = arith.addi %mul3A_20, %add3A_21 : i32
    %dma_start3A = tpu.memref_slice %arg4[%add3A_22] : memref<163840xi32, #tpu.memory_space<hbm>> -> memref<128xi32, #tpu.memory_space<hbm>>
    %dma_start3A_23 = tpu.memref_slice %arg4[%add3A_22] : memref<163840xi32, #tpu.memory_space<hbm>> -> memref<128xi32, #tpu.memory_space<hbm>>
    tpu.enqueue_dma source(%dma_start3A_23 : memref<128xi32, #tpu.memory_space<hbm>>) target(%arg9 : memref<128xi32, #tpu.memory_space<vmem>>) target_semaphore(%arg15 : memref<!tpu.dma_semaphore, #tpu.memory_space<semaphore_mem>>)
    %dma_start3A_24 = arith.constant 0 : i32
    %dma_start3A_25 = tpu.memref_slice %arg8[%dma_start3A_24] : memref<10240xi32, #tpu.memory_space<vmem>> -> memref<128xi32, #tpu.memory_space<vmem>>
    %dma_start3A_26 = arith.constant 0 : i32
    %dma_start3A_27 = arith.constant 0 : i32
    %dma_start3A_28 = tpu.memref_slice %arg2[%dma_start3A_26, %dma_start3A_27] : memref<20000x128xf32, #tpu.memory_space<hbm>> -> memref<20000x128xf32, #tpu.memory_space<hbm>>
    tpu.enqueue_indirect_dma source(%dma_start3A_28 : memref<20000x128xf32, #tpu.memory_space<hbm>>) target(%arg11 : memref<128x128xf32, #tpu.memory_space<vmem>>) offsets(%dma_start3A_25 : memref<128xi32, #tpu.memory_space<vmem>>) semaphore(%arg13 : memref<!tpu.dma_semaphore, #tpu.memory_space<semaphore_mem>>)
    %add3A_29 = arith.constant 128 : i32
    %add3A_30 = arith.addi %mul3A_20, %add3A_29 : i32
    %dma_start3A_31 = tpu.memref_slice %arg4[%add3A_30] : memref<163840xi32, #tpu.memory_space<hbm>> -> memref<128xi32, #tpu.memory_space<hbm>>
    %dma_start3A_32 = tpu.memref_slice %arg4[%add3A_30] : memref<163840xi32, #tpu.memory_space<hbm>> -> memref<128xi32, #tpu.memory_space<hbm>>
    tpu.enqueue_dma source(%dma_start3A_32 : memref<128xi32, #tpu.memory_space<hbm>>) target(%arg10 : memref<128xi32, #tpu.memory_space<vmem>>) target_semaphore(%arg16 : memref<!tpu.dma_semaphore, #tpu.memory_space<semaphore_mem>>)
    %scan3A_33 = arith.constant 0 : i32
    %scan3A_34 = arith.constant 39 : i32
    %scan3A_35 = arith.addi %scan3A_33, %scan3A_34 : i32
    %scan3A_36 = arith.constant 1 : i32
    scf.for %scan3A_64 = %scan3A_33 to %scan3A_35 step %scan3A_36  : i32 {
      %mul3A_65 = arith.constant 2 : i32
      %mul3A_66 = arith.muli %scan3A_64, %mul3A_65 : i32
      %add3A_67 = arith.constant 0 : i32
      %add3A_68 = arith.addi %add3A_67, %mul3A_66 : i32
      %add3A_69 = arith.constant 1 : i32
      %add3A_70 = arith.addi %add3A_68, %add3A_69 : i32
      %mul3A_71 = arith.constant 128 : i32
      %mul3A_72 = arith.muli %add3A_70, %mul3A_71 : i32
      %dma_start3A_73 = tpu.memref_slice %arg8[%mul3A_72] : memref<10240xi32, #tpu.memory_space<vmem>> -> memref<128xi32, #tpu.memory_space<vmem>>
      %dma_start3A_74 = arith.constant 0 : i32
      %dma_start3A_75 = arith.constant 0 : i32
      %dma_start3A_76 = tpu.memref_slice %arg2[%dma_start3A_74, %dma_start3A_75] : memref<20000x128xf32, #tpu.memory_space<hbm>> -> memref<20000x128xf32, #tpu.memory_space<hbm>>
      tpu.enqueue_indirect_dma source(%dma_start3A_76 : memref<20000x128xf32, #tpu.memory_space<hbm>>) target(%arg12 : memref<128x128xf32, #tpu.memory_space<vmem>>) offsets(%dma_start3A_73 : memref<128xi32, #tpu.memory_space<vmem>>) semaphore(%arg14 : memref<!tpu.dma_semaphore, #tpu.memory_space<semaphore_mem>>)
      %dma_wait3A_77 = arith.constant 0 : i32
      %dma_wait3A_78 = tpu.memref_slice %arg8[%dma_wait3A_77] : memref<10240xi32, #tpu.memory_space<vmem>> -> memref<128xi32, #tpu.memory_space<vmem>>
      %dma_wait3A_79 = arith.constant 0 : i32
      %dma_wait3A_80 = arith.constant 0 : i32
      %dma_wait3A_81 = tpu.memref_slice %arg2[%dma_wait3A_79, %dma_wait3A_80] : memref<20000x128xf32, #tpu.memory_space<hbm>> -> memref<20000x128xf32, #tpu.memory_space<hbm>>
      tpu.wait_indirect_dma semaphore(%arg13 : memref<!tpu.dma_semaphore, #tpu.memory_space<semaphore_mem>>) src(%dma_wait3A_81 : memref<20000x128xf32, #tpu.memory_space<hbm>>) dst(%arg11 : memref<128x128xf32, #tpu.memory_space<vmem>>)
      %dma_wait3A_82 = tpu.memref_slice %arg4[%mul3A_20] : memref<163840xi32, #tpu.memory_space<hbm>> -> memref<128xi32, #tpu.memory_space<hbm>>
      %dma_wait3A_83 = tpu.memref_slice %arg4[%mul3A_20] : memref<163840xi32, #tpu.memory_space<hbm>> -> memref<128xi32, #tpu.memory_space<hbm>>
      tpu.wait_dma2 semaphore(%arg15 : memref<!tpu.dma_semaphore, #tpu.memory_space<semaphore_mem>>) src(%dma_wait3A_83 : memref<128xi32, #tpu.memory_space<hbm>>) dst(%arg9 : memref<128xi32, #tpu.memory_space<vmem>>)
      "tpu.region"() ({
        %run_scoped3A = tpu.sem_alloc : memref<!tpu.dma_semaphore, #tpu.memory_space<semaphore_mem>>
        %dma_start3A_113 = arith.constant 0 : i32
        %dma_start3A_114 = arith.constant 0 : i32
        %dma_start3A_115 = tpu.memref_slice %arg7[%dma_start3A_113, %dma_start3A_114] : memref<10008x128xf32, #tpu.memory_space<vmem_shared>> -> memref<10008x128xf32, #tpu.memory_space<vmem_shared>>
        tpu.enqueue_indirect_dma source(%arg11 : memref<128x128xf32, #tpu.memory_space<vmem>>) target(%dma_start3A_115 : memref<10008x128xf32, #tpu.memory_space<vmem_shared>>) offsets(%arg9 : memref<128xi32, #tpu.memory_space<vmem>>) semaphore(%run_scoped3A : memref<!tpu.dma_semaphore, #tpu.memory_space<semaphore_mem>>) {add = true}
        %dma_wait3A_116 = arith.constant 0 : i32
        %dma_wait3A_117 = arith.constant 0 : i32
        %dma_wait3A_118 = tpu.memref_slice %arg7[%dma_wait3A_116, %dma_wait3A_117] : memref<10008x128xf32, #tpu.memory_space<vmem_shared>> -> memref<10008x128xf32, #tpu.memory_space<vmem_shared>>
        tpu.wait_indirect_dma semaphore(%run_scoped3A : memref<!tpu.dma_semaphore, #tpu.memory_space<semaphore_mem>>) src(%arg11 : memref<128x128xf32, #tpu.memory_space<vmem>>) dst(%dma_wait3A_118 : memref<10008x128xf32, #tpu.memory_space<vmem_shared>>)
        tpu.yield
      }) : () -> ()
      %add3A_84 = arith.constant 2 : i32
      %add3A_85 = arith.addi %add3A_68, %add3A_84 : i32
      %mul3A_86 = arith.constant 128 : i32
      %mul3A_87 = arith.muli %add3A_85, %mul3A_86 : i32
      %add3A_88 = arith.addi %mul3A_20, %mul3A_87 : i32
      %dma_start3A_89 = tpu.memref_slice %arg4[%add3A_88] : memref<163840xi32, #tpu.memory_space<hbm>> -> memref<128xi32, #tpu.memory_space<hbm>>
      %dma_start3A_90 = tpu.memref_slice %arg4[%add3A_88] : memref<163840xi32, #tpu.memory_space<hbm>> -> memref<128xi32, #tpu.memory_space<hbm>>
      tpu.enqueue_dma source(%dma_start3A_90 : memref<128xi32, #tpu.memory_space<hbm>>) target(%arg9 : memref<128xi32, #tpu.memory_space<vmem>>) target_semaphore(%arg15 : memref<!tpu.dma_semaphore, #tpu.memory_space<semaphore_mem>>)
      %add3A_91 = arith.constant 2 : i32
      %add3A_92 = arith.addi %add3A_68, %add3A_91 : i32
      %mul3A_93 = arith.constant 128 : i32
      %mul3A_94 = arith.muli %add3A_92, %mul3A_93 : i32
      %dma_start3A_95 = tpu.memref_slice %arg8[%mul3A_94] : memref<10240xi32, #tpu.memory_space<vmem>> -> memref<128xi32, #tpu.memory_space<vmem>>
      %dma_start3A_96 = arith.constant 0 : i32
      %dma_start3A_97 = arith.constant 0 : i32
      %dma_start3A_98 = tpu.memref_slice %arg2[%dma_start3A_96, %dma_start3A_97] : memref<20000x128xf32, #tpu.memory_space<hbm>> -> memref<20000x128xf32, #tpu.memory_space<hbm>>
      tpu.enqueue_indirect_dma source(%dma_start3A_98 : memref<20000x128xf32, #tpu.memory_space<hbm>>) target(%arg11 : memref<128x128xf32, #tpu.memory_space<vmem>>) offsets(%dma_start3A_95 : memref<128xi32, #tpu.memory_space<vmem>>) semaphore(%arg13 : memref<!tpu.dma_semaphore, #tpu.memory_space<semaphore_mem>>)
      %dma_wait3A_99 = arith.constant 0 : i32
      %dma_wait3A_100 = tpu.memref_slice %arg8[%dma_wait3A_99] : memref<10240xi32, #tpu.memory_space<vmem>> -> memref<128xi32, #tpu.memory_space<vmem>>
      %dma_wait3A_101 = arith.constant 0 : i32
      %dma_wait3A_102 = arith.constant 0 : i32
      %dma_wait3A_103 = tpu.memref_slice %arg2[%dma_wait3A_101, %dma_wait3A_102] : memref<20000x128xf32, #tpu.memory_space<hbm>> -> memref<20000x128xf32, #tpu.memory_space<hbm>>
      tpu.wait_indirect_dma semaphore(%arg14 : memref<!tpu.dma_semaphore, #tpu.memory_space<semaphore_mem>>) src(%dma_wait3A_103 : memref<20000x128xf32, #tpu.memory_space<hbm>>) dst(%arg12 : memref<128x128xf32, #tpu.memory_space<vmem>>)
      %dma_wait3A_104 = tpu.memref_slice %arg4[%mul3A_20] : memref<163840xi32, #tpu.memory_space<hbm>> -> memref<128xi32, #tpu.memory_space<hbm>>
      %dma_wait3A_105 = tpu.memref_slice %arg4[%mul3A_20] : memref<163840xi32, #tpu.memory_space<hbm>> -> memref<128xi32, #tpu.memory_space<hbm>>
      tpu.wait_dma2 semaphore(%arg16 : memref<!tpu.dma_semaphore, #tpu.memory_space<semaphore_mem>>) src(%dma_wait3A_105 : memref<128xi32, #tpu.memory_space<hbm>>) dst(%arg10 : memref<128xi32, #tpu.memory_space<vmem>>)
      "tpu.region"() ({
        %run_scoped3A = tpu.sem_alloc : memref<!tpu.dma_semaphore, #tpu.memory_space<semaphore_mem>>
        %dma_start3A_113 = arith.constant 0 : i32
        %dma_start3A_114 = arith.constant 0 : i32
        %dma_start3A_115 = tpu.memref_slice %arg7[%dma_start3A_113, %dma_start3A_114] : memref<10008x128xf32, #tpu.memory_space<vmem_shared>> -> memref<10008x128xf32, #tpu.memory_space<vmem_shared>>
        tpu.enqueue_indirect_dma source(%arg12 : memref<128x128xf32, #tpu.memory_space<vmem>>) target(%dma_start3A_115 : memref<10008x128xf32, #tpu.memory_space<vmem_shared>>) offsets(%arg10 : memref<128xi32, #tpu.memory_space<vmem>>) semaphore(%run_scoped3A : memref<!tpu.dma_semaphore, #tpu.memory_space<semaphore_mem>>) {add = true}
        %dma_wait3A_116 = arith.constant 0 : i32
        %dma_wait3A_117 = arith.constant 0 : i32
        %dma_wait3A_118 = tpu.memref_slice %arg7[%dma_wait3A_116, %dma_wait3A_117] : memref<10008x128xf32, #tpu.memory_space<vmem_shared>> -> memref<10008x128xf32, #tpu.memory_space<vmem_shared>>
        tpu.wait_indirect_dma semaphore(%run_scoped3A : memref<!tpu.dma_semaphore, #tpu.memory_space<semaphore_mem>>) src(%arg12 : memref<128x128xf32, #tpu.memory_space<vmem>>) dst(%dma_wait3A_118 : memref<10008x128xf32, #tpu.memory_space<vmem_shared>>)
        tpu.yield
      }) : () -> ()
      %add3A_106 = arith.constant 3 : i32
      %add3A_107 = arith.addi %add3A_68, %add3A_106 : i32
      %mul3A_108 = arith.constant 128 : i32
      %mul3A_109 = arith.muli %add3A_107, %mul3A_108 : i32
      %add3A_110 = arith.addi %mul3A_20, %mul3A_109 : i32
      %dma_start3A_111 = tpu.memref_slice %arg4[%add3A_110] : memref<163840xi32, #tpu.memory_space<hbm>> -> memref<128xi32, #tpu.memory_space<hbm>>
      %dma_start3A_112 = tpu.memref_slice %arg4[%add3A_110] : memref<163840xi32, #tpu.memory_space<hbm>> -> memref<128xi32, #tpu.memory_space<hbm>>
      tpu.enqueue_dma source(%dma_start3A_112 : memref<128xi32, #tpu.memory_space<hbm>>) target(%arg10 : memref<128xi32, #tpu.memory_space<vmem>>) target_semaphore(%arg16 : memref<!tpu.dma_semaphore, #tpu.memory_space<semaphore_mem>>)
    }
    %scan3A_37 = arith.constant 39 : i32
    %dma_start3A_38 = arith.constant 10112 : i32
    %dma_start3A_39 = tpu.memref_slice %arg8[%dma_start3A_38] : memref<10240xi32, #tpu.memory_space<vmem>> -> memref<128xi32, #tpu.memory_space<vmem>>
    %dma_start3A_40 = arith.constant 0 : i32
    %dma_start3A_41 = arith.constant 0 : i32
    %dma_start3A_42 = tpu.memref_slice %arg2[%dma_start3A_40, %dma_start3A_41] : memref<20000x128xf32, #tpu.memory_space<hbm>> -> memref<20000x128xf32, #tpu.memory_space<hbm>>
    tpu.enqueue_indirect_dma source(%dma_start3A_42 : memref<20000x128xf32, #tpu.memory_space<hbm>>) target(%arg12 : memref<128x128xf32, #tpu.memory_space<vmem>>) offsets(%dma_start3A_39 : memref<128xi32, #tpu.memory_space<vmem>>) semaphore(%arg14 : memref<!tpu.dma_semaphore, #tpu.memory_space<semaphore_mem>>)
    %dma_wait3A = arith.constant 0 : i32
    %dma_wait3A_43 = tpu.memref_slice %arg8[%dma_wait3A] : memref<10240xi32, #tpu.memory_space<vmem>> -> memref<128xi32, #tpu.memory_space<vmem>>
    %dma_wait3A_44 = arith.constant 0 : i32
    %dma_wait3A_45 = arith.constant 0 : i32
    %dma_wait3A_46 = tpu.memref_slice %arg2[%dma_wait3A_44, %dma_wait3A_45] : memref<20000x128xf32, #tpu.memory_space<hbm>> -> memref<20000x128xf32, #tpu.memory_space<hbm>>
    tpu.wait_indirect_dma semaphore(%arg13 : memref<!tpu.dma_semaphore, #tpu.memory_space<semaphore_mem>>) src(%dma_wait3A_46 : memref<20000x128xf32, #tpu.memory_space<hbm>>) dst(%arg11 : memref<128x128xf32, #tpu.memory_space<vmem>>)
    %dma_wait3A_47 = tpu.memref_slice %arg4[%mul3A_20] : memref<163840xi32, #tpu.memory_space<hbm>> -> memref<128xi32, #tpu.memory_space<hbm>>
    %dma_wait3A_48 = tpu.memref_slice %arg4[%mul3A_20] : memref<163840xi32, #tpu.memory_space<hbm>> -> memref<128xi32, #tpu.memory_space<hbm>>
    tpu.wait_dma2 semaphore(%arg15 : memref<!tpu.dma_semaphore, #tpu.memory_space<semaphore_mem>>) src(%dma_wait3A_48 : memref<128xi32, #tpu.memory_space<hbm>>) dst(%arg9 : memref<128xi32, #tpu.memory_space<vmem>>)
    "tpu.region"() ({
      %run_scoped3A = tpu.sem_alloc : memref<!tpu.dma_semaphore, #tpu.memory_space<semaphore_mem>>
      %dma_start3A_64 = arith.constant 0 : i32
      %dma_start3A_65 = arith.constant 0 : i32
      %dma_start3A_66 = tpu.memref_slice %arg7[%dma_start3A_64, %dma_start3A_65] : memref<10008x128xf32, #tpu.memory_space<vmem_shared>> -> memref<10008x128xf32, #tpu.memory_space<vmem_shared>>
      tpu.enqueue_indirect_dma source(%arg11 : memref<128x128xf32, #tpu.memory_space<vmem>>) target(%dma_start3A_66 : memref<10008x128xf32, #tpu.memory_space<vmem_shared>>) offsets(%arg9 : memref<128xi32, #tpu.memory_space<vmem>>) semaphore(%run_scoped3A : memref<!tpu.dma_semaphore, #tpu.memory_space<semaphore_mem>>) {add = true}
      %dma_wait3A_67 = arith.constant 0 : i32
      %dma_wait3A_68 = arith.constant 0 : i32
      %dma_wait3A_69 = tpu.memref_slice %arg7[%dma_wait3A_67, %dma_wait3A_68] : memref<10008x128xf32, #tpu.memory_space<vmem_shared>> -> memref<10008x128xf32, #tpu.memory_space<vmem_shared>>
      tpu.wait_indirect_dma semaphore(%run_scoped3A : memref<!tpu.dma_semaphore, #tpu.memory_space<semaphore_mem>>) src(%arg11 : memref<128x128xf32, #tpu.memory_space<vmem>>) dst(%dma_wait3A_69 : memref<10008x128xf32, #tpu.memory_space<vmem_shared>>)
      tpu.yield
    }) : () -> ()
    %dma_wait3A_49 = arith.constant 0 : i32
    %dma_wait3A_50 = tpu.memref_slice %arg8[%dma_wait3A_49] : memref<10240xi32, #tpu.memory_space<vmem>> -> memref<128xi32, #tpu.memory_space<vmem>>
    %dma_wait3A_51 = arith.constant 0 : i32
    %dma_wait3A_52 = arith.constant 0 : i32
    %dma_wait3A_53 = tpu.memref_slice %arg2[%dma_wait3A_51, %dma_wait3A_52] : memref<20000x128xf32, #tpu.memory_space<hbm>> -> memref<20000x128xf32, #tpu.memory_space<hbm>>
    tpu.wait_indirect_dma semaphore(%arg14 : memref<!tpu.dma_semaphore, #tpu.memory_space<semaphore_mem>>) src(%dma_wait3A_53 : memref<20000x128xf32, #tpu.memory_space<hbm>>) dst(%arg12 : memref<128x128xf32, #tpu.memory_space<vmem>>)
    %dma_wait3A_54 = tpu.memref_slice %arg4[%mul3A_20] : memref<163840xi32, #tpu.memory_space<hbm>> -> memref<128xi32, #tpu.memory_space<hbm>>
    %dma_wait3A_55 = tpu.memref_slice %arg4[%mul3A_20] : memref<163840xi32, #tpu.memory_space<hbm>> -> memref<128xi32, #tpu.memory_space<hbm>>
    tpu.wait_dma2 semaphore(%arg16 : memref<!tpu.dma_semaphore, #tpu.memory_space<semaphore_mem>>) src(%dma_wait3A_55 : memref<128xi32, #tpu.memory_space<hbm>>) dst(%arg10 : memref<128xi32, #tpu.memory_space<vmem>>)
    "tpu.region"() ({
      %run_scoped3A = tpu.sem_alloc : memref<!tpu.dma_semaphore, #tpu.memory_space<semaphore_mem>>
      %dma_start3A_64 = arith.constant 0 : i32
      %dma_start3A_65 = arith.constant 0 : i32
      %dma_start3A_66 = tpu.memref_slice %arg7[%dma_start3A_64, %dma_start3A_65] : memref<10008x128xf32, #tpu.memory_space<vmem_shared>> -> memref<10008x128xf32, #tpu.memory_space<vmem_shared>>
      tpu.enqueue_indirect_dma source(%arg12 : memref<128x128xf32, #tpu.memory_space<vmem>>) target(%dma_start3A_66 : memref<10008x128xf32, #tpu.memory_space<vmem_shared>>) offsets(%arg10 : memref<128xi32, #tpu.memory_space<vmem>>) semaphore(%run_scoped3A : memref<!tpu.dma_semaphore, #tpu.memory_space<semaphore_mem>>) {add = true}
      %dma_wait3A_67 = arith.constant 0 : i32
      %dma_wait3A_68 = arith.constant 0 : i32
      %dma_wait3A_69 = tpu.memref_slice %arg7[%dma_wait3A_67, %dma_wait3A_68] : memref<10008x128xf32, #tpu.memory_space<vmem_shared>> -> memref<10008x128xf32, #tpu.memory_space<vmem_shared>>
      tpu.wait_indirect_dma semaphore(%run_scoped3A : memref<!tpu.dma_semaphore, #tpu.memory_space<semaphore_mem>>) src(%arg12 : memref<128x128xf32, #tpu.memory_space<vmem>>) dst(%dma_wait3A_69 : memref<10008x128xf32, #tpu.memory_space<vmem_shared>>)
      tpu.yield
    }) : () -> ()
    %barrier3A_56 = arith.constant 0 : index
    tpu.barrier barrier_id(%barrier3A_56)
    %mul3A_57 = arith.constant 624 : i32
    %mul3A_58 = arith.muli %arg1, %mul3A_57 : i32
    "tpu.region"() ({
      %run_scoped3A = tpu.sem_alloc : memref<!tpu.dma_semaphore, #tpu.memory_space<semaphore_mem>>
      %dma_start3A_64 = arith.constant 0 : i32
      %dma_start3A_65 = tpu.memref_slice %arg6[%add3A, %dma_start3A_64] : memref<20000x128xf32, #tpu.memory_space<hbm>> -> memref<624x128xf32, #tpu.memory_space<hbm>>
      %dma_start3A_66 = arith.constant 0 : i32
      %dma_start3A_67 = tpu.memref_slice %arg7[%mul3A_58, %dma_start3A_66] : memref<10008x128xf32, #tpu.memory_space<vmem_shared>> -> memref<624x128xf32, #tpu.memory_space<vmem_shared>>
      tpu.enqueue_dma source(%dma_start3A_67 : memref<624x128xf32, #tpu.memory_space<vmem_shared>>) target(%dma_start3A_65 : memref<624x128xf32, #tpu.memory_space<hbm>>) target_semaphore(%run_scoped3A : memref<!tpu.dma_semaphore, #tpu.memory_space<semaphore_mem>>)
      %dma_wait3A_68 = arith.constant 0 : i32
      %dma_wait3A_69 = tpu.memref_slice %arg6[%add3A, %dma_wait3A_68] : memref<20000x128xf32, #tpu.memory_space<hbm>> -> memref<624x128xf32, #tpu.memory_space<hbm>>
      %dma_wait3A_70 = arith.constant 0 : i32
      %dma_wait3A_71 = tpu.memref_slice %arg7[%mul3A_58, %dma_wait3A_70] : memref<10008x128xf32, #tpu.memory_space<vmem_shared>> -> memref<624x128xf32, #tpu.memory_space<vmem_shared>>
      tpu.wait_dma2 semaphore(%run_scoped3A : memref<!tpu.dma_semaphore, #tpu.memory_space<semaphore_mem>>) src(%dma_wait3A_71 : memref<624x128xf32, #tpu.memory_space<vmem_shared>>) dst(%dma_wait3A_69 : memref<624x128xf32, #tpu.memory_space<hbm>>)
      tpu.yield
    }) : () -> ()
    %eq3A_59 = arith.constant 15 : i32
    %eq3A_60 = arith.cmpi eq, %arg1, %eq3A_59 : i32
    %convert_element_type3A_61 = arith.extui %eq3A_60 : i1 to i32
    %cond3A_62 = arith.constant 0 : i32
    %cond3A_63 = arith.cmpi ne, %convert_element_type3A_61, %cond3A_62 : i32
    scf.if %cond3A_63 {
      %mul3A_64 = arith.constant 10000 : i32
      %mul3A_65 = arith.muli %arg0, %mul3A_64 : i32
      %add3A_66 = arith.constant 9984 : i32
      %add3A_67 = arith.addi %mul3A_65, %add3A_66 : i32
      "tpu.region"() ({
        %run_scoped3A = tpu.sem_alloc : memref<!tpu.dma_semaphore, #tpu.memory_space<semaphore_mem>>
        %dma_start3A_68 = arith.constant 0 : i32
        %dma_start3A_69 = tpu.memref_slice %arg6[%add3A_67, %dma_start3A_68] : memref<20000x128xf32, #tpu.memory_space<hbm>> -> memref<16x128xf32, #tpu.memory_space<hbm>>
        %dma_start3A_70 = arith.constant 9984 : i32
        %dma_start3A_71 = arith.constant 0 : i32
        %dma_start3A_72 = tpu.memref_slice %arg7[%dma_start3A_70, %dma_start3A_71] : memref<10008x128xf32, #tpu.memory_space<vmem_shared>> -> memref<16x128xf32, #tpu.memory_space<vmem_shared>>
        tpu.enqueue_dma source(%dma_start3A_72 : memref<16x128xf32, #tpu.memory_space<vmem_shared>>) target(%dma_start3A_69 : memref<16x128xf32, #tpu.memory_space<hbm>>) target_semaphore(%run_scoped3A : memref<!tpu.dma_semaphore, #tpu.memory_space<semaphore_mem>>)
        %dma_wait3A_73 = arith.constant 0 : i32
        %dma_wait3A_74 = tpu.memref_slice %arg6[%add3A_67, %dma_wait3A_73] : memref<20000x128xf32, #tpu.memory_space<hbm>> -> memref<16x128xf32, #tpu.memory_space<hbm>>
        %dma_wait3A_75 = arith.constant 9984 : i32
        %dma_wait3A_76 = arith.constant 0 : i32
        %dma_wait3A_77 = tpu.memref_slice %arg7[%dma_wait3A_75, %dma_wait3A_76] : memref<10008x128xf32, #tpu.memory_space<vmem_shared>> -> memref<16x128xf32, #tpu.memory_space<vmem_shared>>
        tpu.wait_dma2 semaphore(%run_scoped3A : memref<!tpu.dma_semaphore, #tpu.memory_space<semaphore_mem>>) src(%dma_wait3A_77 : memref<16x128xf32, #tpu.memory_space<vmem_shared>>) dst(%dma_wait3A_74 : memref<16x128xf32, #tpu.memory_space<hbm>>)
        tpu.yield
      }) : () -> ()
    } else {
    }
    return
  }
}

#map = affine_map<(d0, d1) -> (0, 0)>
#map1 = affine_map<(d0, d1) -> (0)>
module attributes {stable_mosaic.version = 14 : i64} {
  func.func @seg_kernel(%arg0: i32, %arg1: i32, %arg2: memref<20000x128xf32, #tpu.memory_space<hbm>>, %arg3: memref<163840xi32, #tpu.memory_space<hbm>>, %arg4: memref<163840xi32, #tpu.memory_space<hbm>>, %arg5: memref<20000x128xf32, #tpu.memory_space<hbm>>, %arg6: memref<10000x256xf32, #tpu.memory_space<hbm>>, %arg7: memref<10008x128xf32, #tpu.memory_space<vmem_shared>>, %arg8: memref<10240xi32, #tpu.memory_space<vmem>>, %arg9: memref<128xi32, #tpu.memory_space<vmem>>, %arg10: memref<128xi32, #tpu.memory_space<vmem>>, %arg11: memref<128x128xf32, #tpu.memory_space<vmem>>, %arg12: memref<128x128xf32, #tpu.memory_space<vmem>>, %arg13: memref<!tpu.dma_semaphore, #tpu.memory_space<semaphore_mem>>, %arg14: memref<!tpu.dma_semaphore, #tpu.memory_space<semaphore_mem>>, %arg15: memref<!tpu.dma_semaphore, #tpu.memory_space<semaphore_mem>>, %arg16: memref<!tpu.dma_semaphore, #tpu.memory_space<semaphore_mem>>) attributes {dimension_semantics = [#tpu.dimension_semantics<core_parallel>, #tpu.dimension_semantics<subcore_parallel>], iteration_bounds = array<i64: 2, 16>, scalar_prefetch = 0 : i64, scratch_operands = 10 : i64, tpu.core_type = #tpu.core_type<sc_vector_subcore>, window_params = [{transform_indices = #map}, {transform_indices = #map1}, {transform_indices = #map1}, {transform_indices = #map}, {transform_indices = #map}]} {
    %mul3A = arith.constant 10000 : i32
    %mul3A_0 = arith.muli %arg0, %mul3A : i32
    %mul3A_1 = arith.constant 624 : i32
    %mul3A_2 = arith.muli %arg1, %mul3A_1 : i32
    %add3A = arith.addi %mul3A_0, %mul3A_2 : i32
    %mul3A_3 = arith.constant 624 : i32
    %mul3A_4 = arith.muli %arg1, %mul3A_3 : i32
    "tpu.region"() ({
      %run_scoped3A = tpu.sem_alloc : memref<!tpu.dma_semaphore, #tpu.memory_space<semaphore_mem>>
      %dma_start3A_68 = arith.constant 0 : i32
      %dma_start3A_69 = tpu.memref_slice %arg7[%mul3A_4, %dma_start3A_68] : memref<10008x128xf32, #tpu.memory_space<vmem_shared>> -> memref<624x128xf32, #tpu.memory_space<vmem_shared>>
      %dma_start3A_70 = arith.constant 0 : i32
      %dma_start3A_71 = tpu.memref_slice %arg5[%add3A, %dma_start3A_70] : memref<20000x128xf32, #tpu.memory_space<hbm>> -> memref<624x128xf32, #tpu.memory_space<hbm>>
      tpu.enqueue_dma source(%dma_start3A_71 : memref<624x128xf32, #tpu.memory_space<hbm>>) target(%dma_start3A_69 : memref<624x128xf32, #tpu.memory_space<vmem_shared>>) target_semaphore(%run_scoped3A : memref<!tpu.dma_semaphore, #tpu.memory_space<semaphore_mem>>)
      %dma_wait3A_72 = arith.constant 0 : i32
      %dma_wait3A_73 = tpu.memref_slice %arg7[%mul3A_4, %dma_wait3A_72] : memref<10008x128xf32, #tpu.memory_space<vmem_shared>> -> memref<624x128xf32, #tpu.memory_space<vmem_shared>>
      %dma_wait3A_74 = arith.constant 0 : i32
      %dma_wait3A_75 = tpu.memref_slice %arg5[%add3A, %dma_wait3A_74] : memref<20000x128xf32, #tpu.memory_space<hbm>> -> memref<624x128xf32, #tpu.memory_space<hbm>>
      tpu.wait_dma2 semaphore(%run_scoped3A : memref<!tpu.dma_semaphore, #tpu.memory_space<semaphore_mem>>) src(%dma_wait3A_75 : memref<624x128xf32, #tpu.memory_space<hbm>>) dst(%dma_wait3A_73 : memref<624x128xf32, #tpu.memory_space<vmem_shared>>)
      tpu.yield
    }) : () -> ()
    %eq3A = arith.constant 15 : i32
    %eq3A_5 = arith.cmpi eq, %arg1, %eq3A : i32
    %convert_element_type3A = arith.extui %eq3A_5 : i1 to i32
    %cond3A = arith.constant 0 : i32
    %cond3A_6 = arith.cmpi ne, %convert_element_type3A, %cond3A : i32
    scf.if %cond3A_6 {
      %mul3A_68 = arith.constant 10000 : i32
      %mul3A_69 = arith.muli %arg0, %mul3A_68 : i32
      %add3A_70 = arith.constant 9984 : i32
      %add3A_71 = arith.addi %mul3A_69, %add3A_70 : i32
      "tpu.region"() ({
        %run_scoped3A = tpu.sem_alloc : memref<!tpu.dma_semaphore, #tpu.memory_space<semaphore_mem>>
        %dma_start3A_72 = arith.constant 9984 : i32
        %dma_start3A_73 = arith.constant 0 : i32
        %dma_start3A_74 = tpu.memref_slice %arg7[%dma_start3A_72, %dma_start3A_73] : memref<10008x128xf32, #tpu.memory_space<vmem_shared>> -> memref<16x128xf32, #tpu.memory_space<vmem_shared>>
        %dma_start3A_75 = arith.constant 0 : i32
        %dma_start3A_76 = tpu.memref_slice %arg5[%add3A_71, %dma_start3A_75] : memref<20000x128xf32, #tpu.memory_space<hbm>> -> memref<16x128xf32, #tpu.memory_space<hbm>>
        tpu.enqueue_dma source(%dma_start3A_76 : memref<16x128xf32, #tpu.memory_space<hbm>>) target(%dma_start3A_74 : memref<16x128xf32, #tpu.memory_space<vmem_shared>>) target_semaphore(%run_scoped3A : memref<!tpu.dma_semaphore, #tpu.memory_space<semaphore_mem>>)
        %dma_wait3A_77 = arith.constant 9984 : i32
        %dma_wait3A_78 = arith.constant 0 : i32
        %dma_wait3A_79 = tpu.memref_slice %arg7[%dma_wait3A_77, %dma_wait3A_78] : memref<10008x128xf32, #tpu.memory_space<vmem_shared>> -> memref<16x128xf32, #tpu.memory_space<vmem_shared>>
        %dma_wait3A_80 = arith.constant 0 : i32
        %dma_wait3A_81 = tpu.memref_slice %arg5[%add3A_71, %dma_wait3A_80] : memref<20000x128xf32, #tpu.memory_space<hbm>> -> memref<16x128xf32, #tpu.memory_space<hbm>>
        tpu.wait_dma2 semaphore(%run_scoped3A : memref<!tpu.dma_semaphore, #tpu.memory_space<semaphore_mem>>) src(%dma_wait3A_81 : memref<16x128xf32, #tpu.memory_space<hbm>>) dst(%dma_wait3A_79 : memref<16x128xf32, #tpu.memory_space<vmem_shared>>)
        tpu.yield
      }) : () -> ()
    } else {
    }
    %mul3A_7 = arith.constant 80 : i32
    %mul3A_8 = arith.muli %arg1, %mul3A_7 : i32
    %mul3A_9 = arith.constant 128 : i32
    %mul3A_10 = arith.muli %mul3A_8, %mul3A_9 : i32
    "tpu.region"() ({
      %run_scoped3A = tpu.sem_alloc : memref<!tpu.dma_semaphore, #tpu.memory_space<semaphore_mem>>
      %dma_start3A_68 = tpu.memref_slice %arg3[%mul3A_10] : memref<163840xi32, #tpu.memory_space<hbm>> -> memref<10240xi32, #tpu.memory_space<hbm>>
      %dma_start3A_69 = tpu.memref_slice %arg3[%mul3A_10] : memref<163840xi32, #tpu.memory_space<hbm>> -> memref<10240xi32, #tpu.memory_space<hbm>>
      tpu.enqueue_dma source(%dma_start3A_69 : memref<10240xi32, #tpu.memory_space<hbm>>) target(%arg8 : memref<10240xi32, #tpu.memory_space<vmem>>) target_semaphore(%run_scoped3A : memref<!tpu.dma_semaphore, #tpu.memory_space<semaphore_mem>>)
      %dma_wait3A_70 = tpu.memref_slice %arg3[%mul3A_10] : memref<163840xi32, #tpu.memory_space<hbm>> -> memref<10240xi32, #tpu.memory_space<hbm>>
      %dma_wait3A_71 = tpu.memref_slice %arg3[%mul3A_10] : memref<163840xi32, #tpu.memory_space<hbm>> -> memref<10240xi32, #tpu.memory_space<hbm>>
      tpu.wait_dma2 semaphore(%run_scoped3A : memref<!tpu.dma_semaphore, #tpu.memory_space<semaphore_mem>>) src(%dma_wait3A_71 : memref<10240xi32, #tpu.memory_space<hbm>>) dst(%arg8 : memref<10240xi32, #tpu.memory_space<vmem>>)
      tpu.yield
    }) : () -> ()
    %mul3A_11 = arith.constant 10000 : i32
    %mul3A_12 = arith.muli %arg0, %mul3A_11 : i32
    %scan3A = arith.constant 0 : i32
    %scan3A_13 = arith.constant 640 : i32
    %scan3A_14 = arith.addi %scan3A, %scan3A_13 : i32
    %scan3A_15 = arith.constant 1 : i32
    scf.for %scan3A_68 = %scan3A to %scan3A_14 step %scan3A_15  : i32 {
      %mul3A_69 = arith.constant 1 : i32
      %mul3A_70 = arith.muli %scan3A_68, %mul3A_69 : i32
      %add3A_71 = arith.constant 0 : i32
      %add3A_72 = arith.addi %add3A_71, %mul3A_70 : i32
      %mul3A_73 = arith.constant 16 : i32
      %mul3A_74 = arith.muli %add3A_72, %mul3A_73 : i32
      %get3A = arith.index_cast %mul3A_74 : i32 to index
      %get3A_75 = tpu.vector_load %arg8[%get3A] {strides = array<i32>} : memref<10240xi32, #tpu.memory_space<vmem>>, vector<16xi32>,
      %get3A_76 = vector.shape_cast %get3A_75 : vector<16xi32> to vector<16xi32>
      %add3A_77 = vector.broadcast %mul3A_12 : i32 to vector<16xi32>
      %add3A_78 = arith.addi %get3A_76, %add3A_77 : vector<16xi32>
      %swap3A = arith.index_cast %mul3A_74 : i32 to index
      %swap3A_79 = tpu.vector_load %arg8[%swap3A] {strides = array<i32>} : memref<10240xi32, #tpu.memory_space<vmem>>, vector<16xi32>,
      %swap3A_80 = vector.shape_cast %swap3A_79 : vector<16xi32> to vector<16xi32>
      %swap3A_81 = vector.shape_cast %add3A_78 : vector<16xi32> to vector<16xi32>
      tpu.vector_store %arg8[%swap3A], %swap3A_81 {strides = array<i32>} : memref<10240xi32, #tpu.memory_space<vmem>>, vector<16xi32>,
    }
    %scan3A_16 = arith.constant 640 : i32
    %barrier3A = arith.constant 0 : index
    tpu.barrier barrier_id(%barrier3A)
    %mul3A_17 = arith.constant 80 : i32
    %mul3A_18 = arith.muli %arg1, %mul3A_17 : i32
    %mul3A_19 = arith.constant 128 : i32
    %mul3A_20 = arith.muli %mul3A_18, %mul3A_19 : i32
    %add3A_21 = arith.constant 0 : i32
    %add3A_22 = arith.addi %mul3A_20, %add3A_21 : i32
    %dma_start3A = tpu.memref_slice %arg4[%add3A_22] : memref<163840xi32, #tpu.memory_space<hbm>> -> memref<128xi32, #tpu.memory_space<hbm>>
    %dma_start3A_23 = tpu.memref_slice %arg4[%add3A_22] : memref<163840xi32, #tpu.memory_space<hbm>> -> memref<128xi32, #tpu.memory_space<hbm>>
    tpu.enqueue_dma source(%dma_start3A_23 : memref<128xi32, #tpu.memory_space<hbm>>) target(%arg9 : memref<128xi32, #tpu.memory_space<vmem>>) target_semaphore(%arg15 : memref<!tpu.dma_semaphore, #tpu.memory_space<semaphore_mem>>)
    %dma_start3A_24 = arith.constant 0 : i32
    %dma_start3A_25 = tpu.memref_slice %arg8[%dma_start3A_24] : memref<10240xi32, #tpu.memory_space<vmem>> -> memref<128xi32, #tpu.memory_space<vmem>>
    %dma_start3A_26 = arith.constant 0 : i32
    %dma_start3A_27 = arith.constant 0 : i32
    %dma_start3A_28 = tpu.memref_slice %arg2[%dma_start3A_26, %dma_start3A_27] : memref<20000x128xf32, #tpu.memory_space<hbm>> -> memref<20000x128xf32, #tpu.memory_space<hbm>>
    tpu.enqueue_indirect_dma source(%dma_start3A_28 : memref<20000x128xf32, #tpu.memory_space<hbm>>) target(%arg11 : memref<128x128xf32, #tpu.memory_space<vmem>>) offsets(%dma_start3A_25 : memref<128xi32, #tpu.memory_space<vmem>>) semaphore(%arg13 : memref<!tpu.dma_semaphore, #tpu.memory_space<semaphore_mem>>)
    %add3A_29 = arith.constant 128 : i32
    %add3A_30 = arith.addi %mul3A_20, %add3A_29 : i32
    %dma_start3A_31 = tpu.memref_slice %arg4[%add3A_30] : memref<163840xi32, #tpu.memory_space<hbm>> -> memref<128xi32, #tpu.memory_space<hbm>>
    %dma_start3A_32 = tpu.memref_slice %arg4[%add3A_30] : memref<163840xi32, #tpu.memory_space<hbm>> -> memref<128xi32, #tpu.memory_space<hbm>>
    tpu.enqueue_dma source(%dma_start3A_32 : memref<128xi32, #tpu.memory_space<hbm>>) target(%arg10 : memref<128xi32, #tpu.memory_space<vmem>>) target_semaphore(%arg16 : memref<!tpu.dma_semaphore, #tpu.memory_space<semaphore_mem>>)
    %scan3A_33 = arith.constant 0 : i32
    %scan3A_34 = arith.constant 39 : i32
    %scan3A_35 = arith.addi %scan3A_33, %scan3A_34 : i32
    %scan3A_36 = arith.constant 1 : i32
    scf.for %scan3A_68 = %scan3A_33 to %scan3A_35 step %scan3A_36  : i32 {
      %mul3A_69 = arith.constant 2 : i32
      %mul3A_70 = arith.muli %scan3A_68, %mul3A_69 : i32
      %add3A_71 = arith.constant 0 : i32
      %add3A_72 = arith.addi %add3A_71, %mul3A_70 : i32
      %add3A_73 = arith.constant 1 : i32
      %add3A_74 = arith.addi %add3A_72, %add3A_73 : i32
      %mul3A_75 = arith.constant 128 : i32
      %mul3A_76 = arith.muli %add3A_74, %mul3A_75 : i32
      %dma_start3A_77 = tpu.memref_slice %arg8[%mul3A_76] : memref<10240xi32, #tpu.memory_space<vmem>> -> memref<128xi32, #tpu.memory_space<vmem>>
      %dma_start3A_78 = arith.constant 0 : i32
      %dma_start3A_79 = arith.constant 0 : i32
      %dma_start3A_80 = tpu.memref_slice %arg2[%dma_start3A_78, %dma_start3A_79] : memref<20000x128xf32, #tpu.memory_space<hbm>> -> memref<20000x128xf32, #tpu.memory_space<hbm>>
      tpu.enqueue_indirect_dma source(%dma_start3A_80 : memref<20000x128xf32, #tpu.memory_space<hbm>>) target(%arg12 : memref<128x128xf32, #tpu.memory_space<vmem>>) offsets(%dma_start3A_77 : memref<128xi32, #tpu.memory_space<vmem>>) semaphore(%arg14 : memref<!tpu.dma_semaphore, #tpu.memory_space<semaphore_mem>>)
      %dma_wait3A_81 = arith.constant 0 : i32
      %dma_wait3A_82 = tpu.memref_slice %arg8[%dma_wait3A_81] : memref<10240xi32, #tpu.memory_space<vmem>> -> memref<128xi32, #tpu.memory_space<vmem>>
      %dma_wait3A_83 = arith.constant 0 : i32
      %dma_wait3A_84 = arith.constant 0 : i32
      %dma_wait3A_85 = tpu.memref_slice %arg2[%dma_wait3A_83, %dma_wait3A_84] : memref<20000x128xf32, #tpu.memory_space<hbm>> -> memref<20000x128xf32, #tpu.memory_space<hbm>>
      tpu.wait_indirect_dma semaphore(%arg13 : memref<!tpu.dma_semaphore, #tpu.memory_space<semaphore_mem>>) src(%dma_wait3A_85 : memref<20000x128xf32, #tpu.memory_space<hbm>>) dst(%arg11 : memref<128x128xf32, #tpu.memory_space<vmem>>)
      %dma_wait3A_86 = tpu.memref_slice %arg4[%mul3A_20] : memref<163840xi32, #tpu.memory_space<hbm>> -> memref<128xi32, #tpu.memory_space<hbm>>
      %dma_wait3A_87 = tpu.memref_slice %arg4[%mul3A_20] : memref<163840xi32, #tpu.memory_space<hbm>> -> memref<128xi32, #tpu.memory_space<hbm>>
      tpu.wait_dma2 semaphore(%arg15 : memref<!tpu.dma_semaphore, #tpu.memory_space<semaphore_mem>>) src(%dma_wait3A_87 : memref<128xi32, #tpu.memory_space<hbm>>) dst(%arg9 : memref<128xi32, #tpu.memory_space<vmem>>)
      "tpu.region"() ({
        %run_scoped3A = tpu.sem_alloc : memref<!tpu.dma_semaphore, #tpu.memory_space<semaphore_mem>>
        %dma_start3A_117 = arith.constant 0 : i32
        %dma_start3A_118 = arith.constant 0 : i32
        %dma_start3A_119 = tpu.memref_slice %arg7[%dma_start3A_117, %dma_start3A_118] : memref<10008x128xf32, #tpu.memory_space<vmem_shared>> -> memref<10008x128xf32, #tpu.memory_space<vmem_shared>>
        tpu.enqueue_indirect_dma source(%arg11 : memref<128x128xf32, #tpu.memory_space<vmem>>) target(%dma_start3A_119 : memref<10008x128xf32, #tpu.memory_space<vmem_shared>>) offsets(%arg9 : memref<128xi32, #tpu.memory_space<vmem>>) semaphore(%run_scoped3A : memref<!tpu.dma_semaphore, #tpu.memory_space<semaphore_mem>>) {add = true}
        %dma_wait3A_120 = arith.constant 0 : i32
        %dma_wait3A_121 = arith.constant 0 : i32
        %dma_wait3A_122 = tpu.memref_slice %arg7[%dma_wait3A_120, %dma_wait3A_121] : memref<10008x128xf32, #tpu.memory_space<vmem_shared>> -> memref<10008x128xf32, #tpu.memory_space<vmem_shared>>
        tpu.wait_indirect_dma semaphore(%run_scoped3A : memref<!tpu.dma_semaphore, #tpu.memory_space<semaphore_mem>>) src(%arg11 : memref<128x128xf32, #tpu.memory_space<vmem>>) dst(%dma_wait3A_122 : memref<10008x128xf32, #tpu.memory_space<vmem_shared>>)
        tpu.yield
      }) : () -> ()
      %add3A_88 = arith.constant 2 : i32
      %add3A_89 = arith.addi %add3A_72, %add3A_88 : i32
      %mul3A_90 = arith.constant 128 : i32
      %mul3A_91 = arith.muli %add3A_89, %mul3A_90 : i32
      %add3A_92 = arith.addi %mul3A_20, %mul3A_91 : i32
      %dma_start3A_93 = tpu.memref_slice %arg4[%add3A_92] : memref<163840xi32, #tpu.memory_space<hbm>> -> memref<128xi32, #tpu.memory_space<hbm>>
      %dma_start3A_94 = tpu.memref_slice %arg4[%add3A_92] : memref<163840xi32, #tpu.memory_space<hbm>> -> memref<128xi32, #tpu.memory_space<hbm>>
      tpu.enqueue_dma source(%dma_start3A_94 : memref<128xi32, #tpu.memory_space<hbm>>) target(%arg9 : memref<128xi32, #tpu.memory_space<vmem>>) target_semaphore(%arg15 : memref<!tpu.dma_semaphore, #tpu.memory_space<semaphore_mem>>)
      %add3A_95 = arith.constant 2 : i32
      %add3A_96 = arith.addi %add3A_72, %add3A_95 : i32
      %mul3A_97 = arith.constant 128 : i32
      %mul3A_98 = arith.muli %add3A_96, %mul3A_97 : i32
      %dma_start3A_99 = tpu.memref_slice %arg8[%mul3A_98] : memref<10240xi32, #tpu.memory_space<vmem>> -> memref<128xi32, #tpu.memory_space<vmem>>
      %dma_start3A_100 = arith.constant 0 : i32
      %dma_start3A_101 = arith.constant 0 : i32
      %dma_start3A_102 = tpu.memref_slice %arg2[%dma_start3A_100, %dma_start3A_101] : memref<20000x128xf32, #tpu.memory_space<hbm>> -> memref<20000x128xf32, #tpu.memory_space<hbm>>
      tpu.enqueue_indirect_dma source(%dma_start3A_102 : memref<20000x128xf32, #tpu.memory_space<hbm>>) target(%arg11 : memref<128x128xf32, #tpu.memory_space<vmem>>) offsets(%dma_start3A_99 : memref<128xi32, #tpu.memory_space<vmem>>) semaphore(%arg13 : memref<!tpu.dma_semaphore, #tpu.memory_space<semaphore_mem>>)
      %dma_wait3A_103 = arith.constant 0 : i32
      %dma_wait3A_104 = tpu.memref_slice %arg8[%dma_wait3A_103] : memref<10240xi32, #tpu.memory_space<vmem>> -> memref<128xi32, #tpu.memory_space<vmem>>
      %dma_wait3A_105 = arith.constant 0 : i32
      %dma_wait3A_106 = arith.constant 0 : i32
      %dma_wait3A_107 = tpu.memref_slice %arg2[%dma_wait3A_105, %dma_wait3A_106] : memref<20000x128xf32, #tpu.memory_space<hbm>> -> memref<20000x128xf32, #tpu.memory_space<hbm>>
      tpu.wait_indirect_dma semaphore(%arg14 : memref<!tpu.dma_semaphore, #tpu.memory_space<semaphore_mem>>) src(%dma_wait3A_107 : memref<20000x128xf32, #tpu.memory_space<hbm>>) dst(%arg12 : memref<128x128xf32, #tpu.memory_space<vmem>>)
      %dma_wait3A_108 = tpu.memref_slice %arg4[%mul3A_20] : memref<163840xi32, #tpu.memory_space<hbm>> -> memref<128xi32, #tpu.memory_space<hbm>>
      %dma_wait3A_109 = tpu.memref_slice %arg4[%mul3A_20] : memref<163840xi32, #tpu.memory_space<hbm>> -> memref<128xi32, #tpu.memory_space<hbm>>
      tpu.wait_dma2 semaphore(%arg16 : memref<!tpu.dma_semaphore, #tpu.memory_space<semaphore_mem>>) src(%dma_wait3A_109 : memref<128xi32, #tpu.memory_space<hbm>>) dst(%arg10 : memref<128xi32, #tpu.memory_space<vmem>>)
      "tpu.region"() ({
        %run_scoped3A = tpu.sem_alloc : memref<!tpu.dma_semaphore, #tpu.memory_space<semaphore_mem>>
        %dma_start3A_117 = arith.constant 0 : i32
        %dma_start3A_118 = arith.constant 0 : i32
        %dma_start3A_119 = tpu.memref_slice %arg7[%dma_start3A_117, %dma_start3A_118] : memref<10008x128xf32, #tpu.memory_space<vmem_shared>> -> memref<10008x128xf32, #tpu.memory_space<vmem_shared>>
        tpu.enqueue_indirect_dma source(%arg12 : memref<128x128xf32, #tpu.memory_space<vmem>>) target(%dma_start3A_119 : memref<10008x128xf32, #tpu.memory_space<vmem_shared>>) offsets(%arg10 : memref<128xi32, #tpu.memory_space<vmem>>) semaphore(%run_scoped3A : memref<!tpu.dma_semaphore, #tpu.memory_space<semaphore_mem>>) {add = true}
        %dma_wait3A_120 = arith.constant 0 : i32
        %dma_wait3A_121 = arith.constant 0 : i32
        %dma_wait3A_122 = tpu.memref_slice %arg7[%dma_wait3A_120, %dma_wait3A_121] : memref<10008x128xf32, #tpu.memory_space<vmem_shared>> -> memref<10008x128xf32, #tpu.memory_space<vmem_shared>>
        tpu.wait_indirect_dma semaphore(%run_scoped3A : memref<!tpu.dma_semaphore, #tpu.memory_space<semaphore_mem>>) src(%arg12 : memref<128x128xf32, #tpu.memory_space<vmem>>) dst(%dma_wait3A_122 : memref<10008x128xf32, #tpu.memory_space<vmem_shared>>)
        tpu.yield
      }) : () -> ()
      %add3A_110 = arith.constant 3 : i32
      %add3A_111 = arith.addi %add3A_72, %add3A_110 : i32
      %mul3A_112 = arith.constant 128 : i32
      %mul3A_113 = arith.muli %add3A_111, %mul3A_112 : i32
      %add3A_114 = arith.addi %mul3A_20, %mul3A_113 : i32
      %dma_start3A_115 = tpu.memref_slice %arg4[%add3A_114] : memref<163840xi32, #tpu.memory_space<hbm>> -> memref<128xi32, #tpu.memory_space<hbm>>
      %dma_start3A_116 = tpu.memref_slice %arg4[%add3A_114] : memref<163840xi32, #tpu.memory_space<hbm>> -> memref<128xi32, #tpu.memory_space<hbm>>
      tpu.enqueue_dma source(%dma_start3A_116 : memref<128xi32, #tpu.memory_space<hbm>>) target(%arg10 : memref<128xi32, #tpu.memory_space<vmem>>) target_semaphore(%arg16 : memref<!tpu.dma_semaphore, #tpu.memory_space<semaphore_mem>>)
    }
    %scan3A_37 = arith.constant 39 : i32
    %dma_start3A_38 = arith.constant 10112 : i32
    %dma_start3A_39 = tpu.memref_slice %arg8[%dma_start3A_38] : memref<10240xi32, #tpu.memory_space<vmem>> -> memref<128xi32, #tpu.memory_space<vmem>>
    %dma_start3A_40 = arith.constant 0 : i32
    %dma_start3A_41 = arith.constant 0 : i32
    %dma_start3A_42 = tpu.memref_slice %arg2[%dma_start3A_40, %dma_start3A_41] : memref<20000x128xf32, #tpu.memory_space<hbm>> -> memref<20000x128xf32, #tpu.memory_space<hbm>>
    tpu.enqueue_indirect_dma source(%dma_start3A_42 : memref<20000x128xf32, #tpu.memory_space<hbm>>) target(%arg12 : memref<128x128xf32, #tpu.memory_space<vmem>>) offsets(%dma_start3A_39 : memref<128xi32, #tpu.memory_space<vmem>>) semaphore(%arg14 : memref<!tpu.dma_semaphore, #tpu.memory_space<semaphore_mem>>)
    %dma_wait3A = arith.constant 0 : i32
    %dma_wait3A_43 = tpu.memref_slice %arg8[%dma_wait3A] : memref<10240xi32, #tpu.memory_space<vmem>> -> memref<128xi32, #tpu.memory_space<vmem>>
    %dma_wait3A_44 = arith.constant 0 : i32
    %dma_wait3A_45 = arith.constant 0 : i32
    %dma_wait3A_46 = tpu.memref_slice %arg2[%dma_wait3A_44, %dma_wait3A_45] : memref<20000x128xf32, #tpu.memory_space<hbm>> -> memref<20000x128xf32, #tpu.memory_space<hbm>>
    tpu.wait_indirect_dma semaphore(%arg13 : memref<!tpu.dma_semaphore, #tpu.memory_space<semaphore_mem>>) src(%dma_wait3A_46 : memref<20000x128xf32, #tpu.memory_space<hbm>>) dst(%arg11 : memref<128x128xf32, #tpu.memory_space<vmem>>)
    %dma_wait3A_47 = tpu.memref_slice %arg4[%mul3A_20] : memref<163840xi32, #tpu.memory_space<hbm>> -> memref<128xi32, #tpu.memory_space<hbm>>
    %dma_wait3A_48 = tpu.memref_slice %arg4[%mul3A_20] : memref<163840xi32, #tpu.memory_space<hbm>> -> memref<128xi32, #tpu.memory_space<hbm>>
    tpu.wait_dma2 semaphore(%arg15 : memref<!tpu.dma_semaphore, #tpu.memory_space<semaphore_mem>>) src(%dma_wait3A_48 : memref<128xi32, #tpu.memory_space<hbm>>) dst(%arg9 : memref<128xi32, #tpu.memory_space<vmem>>)
    "tpu.region"() ({
      %run_scoped3A = tpu.sem_alloc : memref<!tpu.dma_semaphore, #tpu.memory_space<semaphore_mem>>
      %dma_start3A_68 = arith.constant 0 : i32
      %dma_start3A_69 = arith.constant 0 : i32
      %dma_start3A_70 = tpu.memref_slice %arg7[%dma_start3A_68, %dma_start3A_69] : memref<10008x128xf32, #tpu.memory_space<vmem_shared>> -> memref<10008x128xf32, #tpu.memory_space<vmem_shared>>
      tpu.enqueue_indirect_dma source(%arg11 : memref<128x128xf32, #tpu.memory_space<vmem>>) target(%dma_start3A_70 : memref<10008x128xf32, #tpu.memory_space<vmem_shared>>) offsets(%arg9 : memref<128xi32, #tpu.memory_space<vmem>>) semaphore(%run_scoped3A : memref<!tpu.dma_semaphore, #tpu.memory_space<semaphore_mem>>) {add = true}
      %dma_wait3A_71 = arith.constant 0 : i32
      %dma_wait3A_72 = arith.constant 0 : i32
      %dma_wait3A_73 = tpu.memref_slice %arg7[%dma_wait3A_71, %dma_wait3A_72] : memref<10008x128xf32, #tpu.memory_space<vmem_shared>> -> memref<10008x128xf32, #tpu.memory_space<vmem_shared>>
      tpu.wait_indirect_dma semaphore(%run_scoped3A : memref<!tpu.dma_semaphore, #tpu.memory_space<semaphore_mem>>) src(%arg11 : memref<128x128xf32, #tpu.memory_space<vmem>>) dst(%dma_wait3A_73 : memref<10008x128xf32, #tpu.memory_space<vmem_shared>>)
      tpu.yield
    }) : () -> ()
    %dma_wait3A_49 = arith.constant 0 : i32
    %dma_wait3A_50 = tpu.memref_slice %arg8[%dma_wait3A_49] : memref<10240xi32, #tpu.memory_space<vmem>> -> memref<128xi32, #tpu.memory_space<vmem>>
    %dma_wait3A_51 = arith.constant 0 : i32
    %dma_wait3A_52 = arith.constant 0 : i32
    %dma_wait3A_53 = tpu.memref_slice %arg2[%dma_wait3A_51, %dma_wait3A_52] : memref<20000x128xf32, #tpu.memory_space<hbm>> -> memref<20000x128xf32, #tpu.memory_space<hbm>>
    tpu.wait_indirect_dma semaphore(%arg14 : memref<!tpu.dma_semaphore, #tpu.memory_space<semaphore_mem>>) src(%dma_wait3A_53 : memref<20000x128xf32, #tpu.memory_space<hbm>>) dst(%arg12 : memref<128x128xf32, #tpu.memory_space<vmem>>)
    %dma_wait3A_54 = tpu.memref_slice %arg4[%mul3A_20] : memref<163840xi32, #tpu.memory_space<hbm>> -> memref<128xi32, #tpu.memory_space<hbm>>
    %dma_wait3A_55 = tpu.memref_slice %arg4[%mul3A_20] : memref<163840xi32, #tpu.memory_space<hbm>> -> memref<128xi32, #tpu.memory_space<hbm>>
    tpu.wait_dma2 semaphore(%arg16 : memref<!tpu.dma_semaphore, #tpu.memory_space<semaphore_mem>>) src(%dma_wait3A_55 : memref<128xi32, #tpu.memory_space<hbm>>) dst(%arg10 : memref<128xi32, #tpu.memory_space<vmem>>)
    "tpu.region"() ({
      %run_scoped3A = tpu.sem_alloc : memref<!tpu.dma_semaphore, #tpu.memory_space<semaphore_mem>>
      %dma_start3A_68 = arith.constant 0 : i32
      %dma_start3A_69 = arith.constant 0 : i32
      %dma_start3A_70 = tpu.memref_slice %arg7[%dma_start3A_68, %dma_start3A_69] : memref<10008x128xf32, #tpu.memory_space<vmem_shared>> -> memref<10008x128xf32, #tpu.memory_space<vmem_shared>>
      tpu.enqueue_indirect_dma source(%arg12 : memref<128x128xf32, #tpu.memory_space<vmem>>) target(%dma_start3A_70 : memref<10008x128xf32, #tpu.memory_space<vmem_shared>>) offsets(%arg10 : memref<128xi32, #tpu.memory_space<vmem>>) semaphore(%run_scoped3A : memref<!tpu.dma_semaphore, #tpu.memory_space<semaphore_mem>>) {add = true}
      %dma_wait3A_71 = arith.constant 0 : i32
      %dma_wait3A_72 = arith.constant 0 : i32
      %dma_wait3A_73 = tpu.memref_slice %arg7[%dma_wait3A_71, %dma_wait3A_72] : memref<10008x128xf32, #tpu.memory_space<vmem_shared>> -> memref<10008x128xf32, #tpu.memory_space<vmem_shared>>
      tpu.wait_indirect_dma semaphore(%run_scoped3A : memref<!tpu.dma_semaphore, #tpu.memory_space<semaphore_mem>>) src(%arg12 : memref<128x128xf32, #tpu.memory_space<vmem>>) dst(%dma_wait3A_73 : memref<10008x128xf32, #tpu.memory_space<vmem_shared>>)
      tpu.yield
    }) : () -> ()
    %barrier3A_56 = arith.constant 0 : index
    tpu.barrier barrier_id(%barrier3A_56)
    %mul3A_57 = arith.constant 624 : i32
    %mul3A_58 = arith.muli %arg1, %mul3A_57 : i32
    %mul3A_59 = arith.constant 624 : i32
    %mul3A_60 = arith.muli %arg1, %mul3A_59 : i32
    %mul3A_61 = arith.constant 128 : i32
    %mul3A_62 = arith.muli %arg0, %mul3A_61 : i32
    "tpu.region"() ({
      %run_scoped3A = tpu.sem_alloc : memref<!tpu.dma_semaphore, #tpu.memory_space<semaphore_mem>>
      %dma_start3A_68 = tpu.memref_slice %arg6[%mul3A_60, %mul3A_62] : memref<10000x256xf32, #tpu.memory_space<hbm>> -> memref<624x128xf32, #tpu.memory_space<hbm>>
      %dma_start3A_69 = arith.constant 0 : i32
      %dma_start3A_70 = tpu.memref_slice %arg7[%mul3A_58, %dma_start3A_69] : memref<10008x128xf32, #tpu.memory_space<vmem_shared>> -> memref<624x128xf32, #tpu.memory_space<vmem_shared>>
      tpu.enqueue_dma source(%dma_start3A_70 : memref<624x128xf32, #tpu.memory_space<vmem_shared>>) target(%dma_start3A_68 : memref<624x128xf32, #tpu.memory_space<hbm>>) target_semaphore(%run_scoped3A : memref<!tpu.dma_semaphore, #tpu.memory_space<semaphore_mem>>)
      %dma_wait3A_71 = tpu.memref_slice %arg6[%mul3A_60, %mul3A_62] : memref<10000x256xf32, #tpu.memory_space<hbm>> -> memref<624x128xf32, #tpu.memory_space<hbm>>
      %dma_wait3A_72 = arith.constant 0 : i32
      %dma_wait3A_73 = tpu.memref_slice %arg7[%mul3A_58, %dma_wait3A_72] : memref<10008x128xf32, #tpu.memory_space<vmem_shared>> -> memref<624x128xf32, #tpu.memory_space<vmem_shared>>
      tpu.wait_dma2 semaphore(%run_scoped3A : memref<!tpu.dma_semaphore, #tpu.memory_space<semaphore_mem>>) src(%dma_wait3A_73 : memref<624x128xf32, #tpu.memory_space<vmem_shared>>) dst(%dma_wait3A_71 : memref<624x128xf32, #tpu.memory_space<hbm>>)
      tpu.yield
    }) : () -> ()
    %eq3A_63 = arith.constant 15 : i32
    %eq3A_64 = arith.cmpi eq, %arg1, %eq3A_63 : i32
    %convert_element_type3A_65 = arith.extui %eq3A_64 : i1 to i32
    %cond3A_66 = arith.constant 0 : i32
    %cond3A_67 = arith.cmpi ne, %convert_element_type3A_65, %cond3A_66 : i32
    scf.if %cond3A_67 {
      %mul3A_68 = arith.constant 128 : i32
      %mul3A_69 = arith.muli %arg0, %mul3A_68 : i32
      "tpu.region"() ({
        %run_scoped3A = tpu.sem_alloc : memref<!tpu.dma_semaphore, #tpu.memory_space<semaphore_mem>>
        %dma_start3A_70 = arith.constant 9984 : i32
        %dma_start3A_71 = tpu.memref_slice %arg6[%dma_start3A_70, %mul3A_69] : memref<10000x256xf32, #tpu.memory_space<hbm>> -> memref<16x128xf32, #tpu.memory_space<hbm>>
        %dma_start3A_72 = arith.constant 9984 : i32
        %dma_start3A_73 = arith.constant 0 : i32
        %dma_start3A_74 = tpu.memref_slice %arg7[%dma_start3A_72, %dma_start3A_73] : memref<10008x128xf32, #tpu.memory_space<vmem_shared>> -> memref<16x128xf32, #tpu.memory_space<vmem_shared>>
        tpu.enqueue_dma source(%dma_start3A_74 : memref<16x128xf32, #tpu.memory_space<vmem_shared>>) target(%dma_start3A_71 : memref<16x128xf32, #tpu.memory_space<hbm>>) target_semaphore(%run_scoped3A : memref<!tpu.dma_semaphore, #tpu.memory_space<semaphore_mem>>)
        %dma_wait3A_75 = arith.constant 9984 : i32
        %dma_wait3A_76 = tpu.memref_slice %arg6[%dma_wait3A_75, %mul3A_69] : memref<10000x256xf32, #tpu.memory_space<hbm>> -> memref<16x128xf32, #tpu.memory_space<hbm>>
        %dma_wait3A_77 = arith.constant 9984 : i32
        %dma_wait3A_78 = arith.constant 0 : i32
        %dma_wait3A_79 = tpu.memref_slice %arg7[%dma_wait3A_77, %dma_wait3A_78] : memref<10008x128xf32, #tpu.memory_space<vmem_shared>> -> memref<16x128xf32, #tpu.memory_space<vmem_shared>>
        tpu.wait_dma2 semaphore(%run_scoped3A : memref<!tpu.dma_semaphore, #tpu.memory_space<semaphore_mem>>) src(%dma_wait3A_79 : memref<16x128xf32, #tpu.memory_space<vmem_shared>>) dst(%dma_wait3A_76 : memref<16x128xf32, #tpu.memory_space<hbm>>)
        tpu.yield
      }) : () -> ()
    } else {
    }
    return
  }
}

module attributes {stable_mosaic.version = 14 : i64} {
  func.func @_mm_body(%arg0: i32, %arg1: i32, %arg2: memref<1000x256xf32, #tpu.memory_space<vmem>>, %arg3: memref<256x128xf32, #tpu.memory_space<vmem>>, %arg4: memref<1000x128xf32, #tpu.memory_space<vmem>>) attributes {dimension_semantics = [#tpu.dimension_semantics<arbitrary>, #tpu.dimension_semantics<arbitrary>], iteration_bounds = array<i64: 10, 2>, scalar_prefetch = 0 : i64, scratch_operands = 0 : i64, tpu.core_type = #tpu.core_type<tc>, window_params = [{transform_indices = @transform_0, window_bounds = array<i64: 1000, 256>}, {transform_indices = @transform_1, window_bounds = array<i64: 256, 128>}, {transform_indices = @transform_2, window_bounds = array<i64: 1000, 128>}]} {
    %get3A = arith.constant 0 : index
    %get3A_0 = arith.constant 0 : index
    %get3A_1 = vector.load %arg2[%get3A, %get3A_0] : memref<1000x256xf32, #tpu.memory_space<vmem>>, vector<1000x256xf32>
    %get3A_2 = arith.constant 0 : index
    %get3A_3 = arith.constant 0 : index
    %get3A_4 = vector.load %arg3[%get3A_2, %get3A_3] : memref<256x128xf32, #tpu.memory_space<vmem>>, vector<256x128xf32>
    %dot_general3A = arith.constant dense<0.000000e+00> : vector<1000x128xf32>
    %dot_general3A_5 = tpu.matmul %get3A_1, %get3A_4, %dot_general3A {dimension_numbers = #tpu.dot_dimension_numbers<[1], [0], [0], [1], [0, 0, 1, 1], [], []>, transpose_lhs_hint = false} : vector<1000x256xf32>, vector<256x128xf32>, vector<1000x128xf32> -> vector<1000x128xf32>
    %swap3A = arith.constant 0 : index
    %swap3A_6 = arith.constant 0 : index
    %swap3A_7 = vector.load %arg4[%swap3A, %swap3A_6] : memref<1000x128xf32, #tpu.memory_space<vmem>>, vector<1000x128xf32>
    tpu.vector_store %arg4[%swap3A, %swap3A_6], %dot_general3A_5 {strides = array<i32>} : memref<1000x128xf32, #tpu.memory_space<vmem>>, vector<1000x128xf32>,
    return
  }
  func.func @transform_0(%arg0: i32, %arg1: i32) -> (i32, i32) {
    %c0_i32 = arith.constant 0 : i32
    %c0_i32_0 = arith.constant 0 : i32
    return %arg0, %c0_i32 : i32, i32
  }
  func.func @transform_1(%arg0: i32, %arg1: i32) -> (i32, i32) {
    %c0_i32 = arith.constant 0 : i32
    %c0_i32_0 = arith.constant 0 : i32
    return %c0_i32, %arg1 : i32, i32
  }
  func.func @transform_2(%arg0: i32, %arg1: i32) -> (i32, i32) {
    %mul3A = arith.constant 10 : i32
    %mul3A_0 = arith.muli %arg1, %mul3A : i32
    %add3A = arith.addi %mul3A_0, %arg0 : i32
    %c0_i32 = arith.constant 0 : i32
    %c0_i32_1 = arith.constant 0 : i32
    return %add3A, %c0_i32 : i32, i32
  }
}

module attributes {stable_mosaic.version = 14 : i64} {
  func.func @_relu_mm_body(%arg0: i32, %arg1: i32, %arg2: memref<1000x128xf32, #tpu.memory_space<vmem>>, %arg3: memref<1000x128xf32, #tpu.memory_space<vmem>>, %arg4: memref<256x128xf32, #tpu.memory_space<vmem>>, %arg5: memref<1000x128xf32, #tpu.memory_space<vmem>>) attributes {dimension_semantics = [#tpu.dimension_semantics<arbitrary>, #tpu.dimension_semantics<arbitrary>], iteration_bounds = array<i64: 10, 2>, scalar_prefetch = 0 : i64, scratch_operands = 0 : i64, tpu.core_type = #tpu.core_type<tc>, window_params = [{transform_indices = @transform_0, window_bounds = array<i64: 1000, 128>}, {transform_indices = @transform_1, window_bounds = array<i64: 1000, 128>}, {transform_indices = @transform_2, window_bounds = array<i64: 256, 128>}, {transform_indices = @transform_3, window_bounds = array<i64: 1000, 128>}]} {
    %get3A = arith.constant 0 : index
    %get3A_0 = arith.constant 0 : index
    %get3A_1 = vector.load %arg2[%get3A, %get3A_0] : memref<1000x128xf32, #tpu.memory_space<vmem>>, vector<1000x128xf32>
    %get3A_2 = arith.constant 0 : index
    %get3A_3 = arith.constant 0 : index
    %get3A_4 = vector.load %arg3[%get3A_2, %get3A_3] : memref<1000x128xf32, #tpu.memory_space<vmem>>, vector<1000x128xf32>
    %concatenate3A = tpu.concatenate %get3A_1, %get3A_4 in 1 : vector<1000x128xf32>, vector<1000x128xf32> -> vector<1000x256xf32>
    %max3A = arith.constant 0.000000e+00 : f32
    %max3A_5 = vector.broadcast %max3A : f32 to vector<1000x256xf32>
    %max3A_6 = arith.maximumf %concatenate3A, %max3A_5 : vector<1000x256xf32>
    %get3A_7 = arith.constant 0 : index
    %get3A_8 = arith.constant 0 : index
    %get3A_9 = vector.load %arg4[%get3A_7, %get3A_8] : memref<256x128xf32, #tpu.memory_space<vmem>>, vector<256x128xf32>
    %dot_general3A = arith.constant dense<0.000000e+00> : vector<1000x128xf32>
    %dot_general3A_10 = tpu.matmul %max3A_6, %get3A_9, %dot_general3A {dimension_numbers = #tpu.dot_dimension_numbers<[1], [0], [0], [1], [0, 0, 1, 1], [], []>, transpose_lhs_hint = false} : vector<1000x256xf32>, vector<256x128xf32>, vector<1000x128xf32> -> vector<1000x128xf32>
    %swap3A = arith.constant 0 : index
    %swap3A_11 = arith.constant 0 : index
    %swap3A_12 = vector.load %arg5[%swap3A, %swap3A_11] : memref<1000x128xf32, #tpu.memory_space<vmem>>, vector<1000x128xf32>
    tpu.vector_store %arg5[%swap3A, %swap3A_11], %dot_general3A_10 {strides = array<i32>} : memref<1000x128xf32, #tpu.memory_space<vmem>>, vector<1000x128xf32>,
    return
  }
  func.func @transform_0(%arg0: i32, %arg1: i32) -> (i32, i32) {
    %c0_i32 = arith.constant 0 : i32
    %c0_i32_0 = arith.constant 0 : i32
    return %arg0, %c0_i32 : i32, i32
  }
  func.func @transform_1(%arg0: i32, %arg1: i32) -> (i32, i32) {
    %add3A = arith.constant 10 : i32
    %add3A_0 = arith.addi %arg0, %add3A : i32
    %c0_i32 = arith.constant 0 : i32
    %c0_i32_1 = arith.constant 0 : i32
    return %add3A_0, %c0_i32 : i32, i32
  }
  func.func @transform_2(%arg0: i32, %arg1: i32) -> (i32, i32) {
    %c0_i32 = arith.constant 0 : i32
    %c0_i32_0 = arith.constant 0 : i32
    return %c0_i32, %arg1 : i32, i32
  }
  func.func @transform_3(%arg0: i32, %arg1: i32) -> (i32, i32) {
    %mul3A = arith.constant 10 : i32
    %mul3A_0 = arith.muli %arg1, %mul3A : i32
    %add3A = arith.addi %mul3A_0, %arg0 : i32
    %c0_i32 = arith.constant 0 : i32
    %c0_i32_1 = arith.constant 0 : i32
    return %add3A, %c0_i32 : i32, i32
  }
}

</mosaic_0001>

<sc_bundles>
// kernel: kernel.6.cloned.1.call-start
scs
__scs_entry_jumppad:
0x0: {  	(pc) =	sbr.rel $0x88, $3  }
0x1: {  	(tag) =	ssettag $0x0;
	lr =	simm.s32 $0x1  }
0x2: {  	[smem:$0x3F9B] =	sst lr;
	_ =	strace $0xD0000000  }
0x3: {  	_ = 	snop  }
0x4: {  	_ = 	snop  }
0x5: {  	_ = 	snop  }
0x6: {  	_ = 	snop  }
0x7: {  	_ = 	snop  }
__scs_overlays_trampoline_lowered:
0x8: {  	[smem:$0x3FAA] =	sst s0  }
0x9: {  	[smem:$0x3FAB] =	sst s1  }
0xa: {  	[smem:$0x3FAC] =	sst s2  }
0xb: {  	[smem:$0x3FAD] =	sst s3  }
0xc: {  	[smem:$0x3FAE] =	sst s4  }
0xd: {  	[smem:$0x3FAF] =	sst s5  }
0xe: {  	[smem:$0x3FB0] =	sst s6  }
0xf: {  	[smem:$0x3FB1] =	sst s7  }
0x10: {  	[smem:$0x3FB2] =	sst s8  }
0x11: {  	[smem:$0x3FB3] =	sst s9;
	s0 =	simm.s32 @!p0 $0x0  }
0x12: {  	s1 =	sld [smem:$0x3F99];
	s0 =	simm.s32 @p0 $0x1  }
0x13: {  	[smem:$0x3FB4] =	sst s0;
	s0 =	simm.s32 @!p1 $0x0  }
0x14: {  	s2 =	sld [smem:$0x3F98];
	s0 =	simm.s32 @p1 $0x1  }
0x15: {  	[smem:$0x3FB5] =	sst s0;
	s0 =	simm.s32 @!p2 $0x0  }
0x16: {  	s3 =	sld [smem:$0x3FDB];
	s0 =	simm.s32 @p2 $0x1  }
0x17: {  	s4 =	simm.s32 $0x1BF5;
	[smem:$0x3FB7] =	sst s0  }
0x18: {  	s0 =	sld [smem:$0x3F9A];
	_ =	swait.ge [sflag:s4], $0x0  }
0x19: {  	s7 =	sld [smem:$0x3F9B]  }
0x1a: {  	s8 =	sadd.s32 $0xFFFFE003, lr  }
0x1b: {  	s9 =	sadd.s32 $0xFFFFFEF7, lr;
	s5 =	simm.s32 $0xFFFFFFFF;
	p2 =	slt.u32 s8, $0xFFFFF086  }
0x1c: {  	p1 =	slt.u32 s9, $0xF7A;
	s5 =	simm.s32 @!p2 $0x0  }
0x1d: {  	s5 =	simm.s32 @p1 $0x1;
	p0 =	seq.s32 s7, s2  }
0x1e: {  	s7 =	smul.u32 @!p0 $0xF7A, s2;
	p2 =	seq.s32 @!p0 s5, $0x0  }
0x1f: {  	s9 =	smul.u32 $0xF7A, s1;
	s8 =	simm.s32 @!p0 $0x1BF5;
	p2 =	por !p2, p0  }
0x20: {  	[sflag:s8] =	ssyncset.s32 @!p0 $0xFFFFF086;
	s6 =	sadd.s32 @!p0 s3, s7;
	s7 =	simm.s32 @!p0 $0x108  }
0x21: {  	s3 =	sadd.s32 s3, s9;
	s6 =	sadd.s32 @!p0 $0x88, s6;
	s7 =	simm.s32 @p2 $0x1082  }
0x22: {  	[simem:s7], [sflag:s8] =	dma.local @!p0 [hbm:s6], $0xF7A  }
0x23: {  	s9 =	sor.u32 $0xD0000000, s2;
	s6 =	simm.s32 $0x108;
	_ =	swait.ge @!p0 [sflag:s8], $0x0  }
0x24: {  	s3 =	sadd.s32 $0x88, s3;
	s6 =	simm.s32 @!p1 $0x1082;
	[sflag:s4] =	ssyncset.s32 $0xFFFFF086  }
0x25: {  	[simem:s6], [sflag:s4] =	dma.local [hbm:s3], $0xF7A  }
0x26: {  	[smem:$0x3F9B] =	sst s1;
	(tag) =	ssettag s2;
	_ =	strace s9  }
0x27: {  	s1 =	sld [smem:$0x3FAB]  }
0x28: {  	s2 =	sld [smem:$0x3FAC]  }
0x29: {  	s4 =	sld [smem:$0x3FAE]  }
0x2a: {  	p0 =	seq.s32 s5, $0x0;
	s5 =	sld [smem:$0x3FAF]  }
0x2b: {  	s6 =	sld [smem:$0x3FB0]  }
0x2c: {  	s7 =	sld [smem:$0x3FB1]  }
0x2d: {  	s3 =	simm.s32 $0x108;
	s8 =	sld [smem:$0x3FB2]  }
0x2e: {  	s3 =	simm.s32 @!p0 $0x1082;
	s9 =	sld [smem:$0x3FB3]  }
0x2f: {  	lr =	sadd.s32 s0, s3;
	s0 =	sld [smem:$0x3FAA]  }
0x30: {  	s3 =	sld [smem:$0x3FAD]  }
0x31: {  	[smem:$0x3FB6] =	sst s10  }
0x32: {  	s10 =	sld [smem:$0x3FB4];
	_ =	sdelay $0x3  }
0x33: {  	p0 =	seq.s32 s10, $0x1;
	s10 =	sld [smem:$0x3FB6];
	_ =	sdelay $0x3  }
0x34: {  	[smem:$0x3FB6] =	sst s10  }
0x35: {  	s10 =	sld [smem:$0x3FB5];
	_ =	sdelay $0x3  }
0x36: {  	p1 =	seq.s32 s10, $0x1;
	s10 =	sld [smem:$0x3FB6];
	_ =	sdelay $0x3  }
0x37: {  	[smem:$0x3FB6] =	sst s10  }
0x38: {  	s10 =	sld [smem:$0x3FB7]  }
0x39: {  	_ = 	snop;
	(pc) =	sbr.ind lr, $3  }
0x3a: {  	_ = 	snop  }
0x3b: {  	_ = 	snop  }
0x3c: {  	p2 =	seq.s32 s10, $0x1;
	s10 =	sld [smem:$0x3FB6]  }
0x3d: {  	_ =	shalt  }
0x3e: {  	_ =	shalt  }
0x3f: {  	_ =	shalt  }
0x40: {  	_ =	shalt  }
0x41: {  	_ =	shalt  }
0x42: {  	_ =	shalt  }
0x43: {  	_ =	shalt  }
0x44: {  	_ =	shalt  }
0x45: {  	_ =	shalt  }
0x46: {  	_ =	shalt  }
0x47: {  	_ =	shalt  }
0x48: {  	_ =	shalt  }
0x49: {  	_ =	shalt  }
0x4a: {  	_ =	shalt  }
0x4b: {  	_ =	shalt  }
0x4c: {  	_ =	shalt  }
0x4d: {  	_ =	shalt  }
0x4e: {  	_ =	shalt  }
0x4f: {  	_ =	shalt  }
0x50: {  	_ =	shalt  }
0x51: {  	_ =	shalt  }
0x52: {  	_ =	shalt  }
0x53: {  	_ =	shalt  }
0x54: {  	_ =	shalt  }
0x55: {  	_ =	shalt  }
0x56: {  	_ =	shalt  }
0x57: {  	_ =	shalt  }
0x58: {  	_ =	shalt  }
0x59: {  	_ =	shalt  }
0x5a: {  	_ =	shalt  }
0x5b: {  	_ =	shalt  }
0x5c: {  	_ =	shalt  }
0x5d: {  	_ =	shalt  }
0x5e: {  	_ =	shalt  }
0x5f: {  	_ =	shalt  }
0x60: {  	_ =	shalt  }
0x61: {  	_ =	shalt  }
0x62: {  	_ =	shalt  }
0x63: {  	_ =	shalt  }
0x64: {  	_ =	shalt  }
0x65: {  	_ =	shalt  }
0x66: {  	_ =	shalt  }
0x67: {  	_ =	shalt  }
0x68: {  	_ =	shalt  }
0x69: {  	_ =	shalt  }
0x6a: {  	_ =	shalt  }
0x6b: {  	_ =	shalt  }
0x6c: {  	_ =	shalt  }
0x6d: {  	_ =	shalt  }
0x6e: {  	_ =	shalt  }
0x6f: {  	_ =	shalt  }
0x70: {  	_ =	shalt  }
0x71: {  	_ =	shalt  }
0x72: {  	_ =	shalt  }
0x73: {  	_ =	shalt  }
0x74: {  	_ =	shalt  }
0x75: {  	_ =	shalt  }
0x76: {  	_ =	shalt  }
0x77: {  	_ =	shalt  }
0x78: {  	_ =	shalt  }
0x79: {  	_ =	shalt  }
0x7a: {  	_ =	shalt  }
0x7b: {  	_ =	shalt  }
0x7c: {  	_ =	shalt  }
0x7d: {  	_ =	shalt  }
0x7e: {  	_ =	shalt  }
0x7f: {  	_ =	shalt  }
0x80: {  	_ =	shalt  }
0x81: {  	_ =	shalt  }
0x82: {  	_ =	shalt  }
0x83: {  	_ =	shalt  }
0x84: {  	_ =	shalt  }
0x85: {  	_ =	shalt  }
0x86: {  	_ =	shalt  }
0x87: {  	_ =	shalt  }
.Lfunc_end0:
.L_simem_size_0:
called_computation_lowered:
.L_overlay_start_0:
0x88: {  	s2 =	sld [smem:$0x3FD9]  }
0x89: {  	s3 =	sld [smem:$0x3FFE];
	_ =	sdelay $0x1  }
0x8a: {  	s1 =	srdreg.scid  }
0x8b: {  	s0 =	sand.u32 $0x1, s1  }
0x8c: {  	s17 =	sshll.u32 s0, $0xA;
	s2 =	sadd.s32 s3, s2  }
0x8d: {  	s2 =	sadd.s32 s2, s17  }
0x8e: {  	[smem:$0x3FC2] =	sst s2  }
0x8f: {  	_ = 	snop  }
0x90: {  	s2 =	sld [smem:$0x3FD0];
	(tm) =	ssettm $0x1  }
0x91: {  	s18 =	sld [smem:$0x3FFB];
	_ =	sdelay $0x3  }
0x92: {  	_ =	strace s18  }
0x93: {  	s3 =	sld [smem:$0x3FFC];
	_ =	sdelay $0x3  }
0x94: {  	_ =	strace s3  }
0x95: {  	s3 =	sld [smem:$0x3FFD];
	_ =	sdelay $0x3  }
0x96: {  	_ =	strace s3  }
0x97: {  	_ =	strace $0x8FFFFFFF  }
0x98: {  	s19 =	sld [smem:$0x3FDB];
	_ =	sdelay $0x1  }
0x99: {  	s4 =	simm.s32 $_scs_section_size  }
0x9a: {  	s5 =	simm.s32 $_size__tile_overlayer_lowered;
	s6 =	simm.s32 $_tile_overlayer_lowered  }
0x9b: {  	s22 =	simm.s32 $0x1BFF;
	s21 =	sshll.u32 s6, $0x1;
	s3 =	sadd.s32 s4, s19  }
0x9c: {  	s7 =	simm.s32 $0x0;
	s20 =	sshll.u32 s5, $0x1;
	s5 =	sadd.s32 s21, s3  }
0x9d: {  	[timem:s7], [sflag:s22] =	dma.local [hbm:s5], s20  }
0x9e: {  	_ =	swait.ge [sflag:s22], s20  }
0x9f: {  	s4 =	ssub.s32 $0x0, s20;
	[sflag:s22] =	ssyncset.done $0x0  }
0xa0: {  	[sflag:s22] =	ssyncadd.s32 s4;
	_ =	sdelay $0x1  }
0xa1: {  	s23 =	simm.s32 $0x1B8B  }
0xa2: {  	_ =	swait.ge [sflag:s23], $0x1  }
0xa3: {  	[sflag:s23] =	ssyncset.done $0x0  }
0xa4: {  	s25 =	simm.s32 $0x1B8E;
	s24 =	sld [smem:$0x3FFE];
	[sflag:s23] =	ssyncadd.s32 $0xFFFFFFFF  }
0xa5: {  	s26 =	simm.s32 $execute0_lowered;
	[smem:$0x3FD2] =	sst s25  }
0xa6: {  	s5 =	sshll.u32 s26, $0x1;
	_ =	strace $0x80000046;
	[dreg:$0x1] =	wrdreg $0xFFFFFFFF  }
0xa7: {  	s28 =	simm.s32 $_size_execute0_lowered;
	s3 =	sadd.s32 s3, s5;
	[dreg:$0x0] =	wrdreg $0x0  }
0xa8: {  	s5 =	sshll.u32 s28, $0x1;
	[dreg:$0x2] =	wrdreg s3  }
0xa9: {  	[dreg:$0x3] =	wrdreg s5  }
0xaa: {  	[dreg:$0x4] =	wrdreg $0xC0  }
0xab: {  	_ =	task [dreg:s7], $0x5FFFF  }
0xac: {  	[dreg:$0x1] =	wrdreg $0xFFFFFFFF  }
0xad: {  	[dreg:$0x0] =	wrdreg $0x60  }
0xae: {  	[dreg:$0x2] =	wrdreg s2  }
0xaf: {  	[dreg:$0x3] =	wrdreg s24  }
0xb0: {  	[dreg:$0x4] =	wrdreg $0x0  }
0xb1: {  	[dreg:$0x5] =	wrdreg $0x9  }
0xb2: {  	_ =	task.clear_ibuf [dreg:s7], $0x6FFFF;
	_ =	strace $0x90000046  }
0xb3: {  	s29 =	simm.s32 $0x9;
	_ =	strace $0x80000048  }
0xb4: {  	_ =	swait.ge [sflag:s29], $0x1  }
0xb5: {  	[sflag:s29] =	ssyncadd.s32 $0xFFFFFFFF  }
0xb6: {  	_ =	strace $0x90000048  }
0xb7: {  	_ =	sfence  }
0xb8: {  	s30 =	sld [smem:$0x0];
	_ =	sdelay $0x2  }
0xb9: {  	s31 =	sshll.u32 s1, $0xD;
	s1 =	sshrl.u32 s1, $0x2  }
0xba: {  	s3 =	sand.u32 $0x4000, s31;
	s1 =	sadd.s32 s1, s30  }
0xbb: {  	s0 =	sor.u32 s3, s0;
	s1 =	sshll.u32 s1, $0x11  }
0xbc: {  	s0 =	sor.u32 s1, s0  }
0xbd: {  	s0 =	sadd.s32 $0x8F2B, s0  }
0xbe: {  	[sflag:s0] =	ssyncadd.remote.s32 $0x1  }
0xbf: {  	_ =	sfence.sel $0xFFFF  }
0xc0: {  	[dreg:$0x0] =	wrdreg $0xFFFFFFFF;
	(pc) =	sbr.abs _section_cstart, $3  }
0xc1: {  	[dreg:$0x1] =	wrdreg $0xFFFFFFFF  }
0xc2: {  	_ =	task.clear_ibuf [dreg:s7], $0x2FFFF;
	_ =	strace $0x9FFFFFFF  }
0xc3: {  	(tm) =	ssettm $0x7FFFFFFF  }
tec
execute0_lowered:
.L_overlay_start_1:
0x0: {  	(tag) =	ssettag $0x1  }
0x1: {  	s2 =	rddreg [dreg:$0x0]  }
0x2: {  	s0 =	rddreg [dreg:$0x1]  }
0x3: {  	s3 =	rddreg [dreg:$0x2];
	s16 =	stileid.u32;
	s4 =	simm.s32 $0x0  }
0x4: {  	s5 =	srdreg.scid;
	s18 =	simm.s32 $0x138C0;
	s19 =	simm.s32 $0x160C0  }
0x5: {  	s20 =	simm.s32 $0x80;
	s21 =	simm.s32 $0x161C0;
	s22 =	simm.s32 $0x16140  }
0x6: {  	s23 =	simm.s32 $0x1A1C0;
	s30 =	simm.s32 $0x0;
	s1 =	smul.u32 $0x2800, s16  }
0x7: {  	[smem:$0x7FF] =	sst s4;
	s5 =	sand.u32 $0x1, s5;
	s6 =	smul.u32 $0x4E000, s16  }
0x8: {  	s14 =	sadd.s32 $0x54C00, s0;
	s7 =	sadd.s32 $0x1A00, s0;
	s10 =	smul.u32 $0x270, s16  }
0x9: {  	s29 =	sshll.u32 s16, $0x6;
	s17 =	sadd.s32 $0x138000, s3;
	s31 =	smul.u32 $0x500, s16  }
0xa: {  	p0 =	sne.s32 s16, $0xF;
	s16 =	simm.s32 $0x5;
	s28 =	smul.u32 $0x2710, s5  }
0xb: {  	_ =	strace $0x80000047;
	s9 =	ssub.s32 $0x2, s5;
	s5 =	smul.u32 $0x138800, s5  }
0xc: {  	s17 =	sshrl.u32 @!p0 s17, $0x3;
	s1 =	sshrl.u32 s1, $0x3;
	s11 =	sshrl.u32 s9, $0x1  }
0xd: {  	s6 =	sshrl.u32 s6, $0x2;
	s8 =	sadd.s32 s1, s0;
	s0 =	sadd.s32 $0x59C00, s0  }
0xe: {  	s13 =	ssub.s32 s9, s11;
	s24 =	sadd.s32 s10, s28;
	s15 =	sadd.s32 s6, s3  }
0xf: {  	s26 =	sshrl.u32 s5, $0x3;
	s6 =	sor.u32 $0x1C05, s29;
	s9 =	sadd.s32 s14, s1  }
0x10: {  	s14 =	sadd.s32 s31, s14;
	v0 =	vmov s28;
	s28 =	simm.s32 $0x4;
	s25 =	sshll.u32 s24, $0x4  }
0x11: {  	s12 =	sadd.s32 $0x27000, s26;
	s8 =	sadd.s32 $0x4FC00, s8;
	s10 =	sadd.s32 $0x10, s9  }
0x12: {  	s13 =	smax.u32 s13, $0x1;
	s15 =	sshrl.u32 s15, $0x3;
	s24 =	simm.s32 $0x1  }
0x13: {  	s26 =	simm.s32 $0x2;
	s5 =	sadd.s32 s7, s25;
	s7 =	sadd.s32 s7, s12  }
0x14: {  	s11 =	sadd.s32 s0, s25;
	s12 =	sadd.s32 s0, s12;
	s25 =	simm.s32 $0x3  }
.LBB2_1:
0x15: {  	[spmem:s15], [sflag:s6] =	dma.local [hbm:s5], $0x2700  }
0x16: {  	_ =	swait.ge [sflag:s16], $0x2700  }
0x17: {  	[sflag:s16] =	ssyncset.done $0x0  }
0x18: {  	s0 =	simm.s32 @!p0 $0x5;
	[sflag:s16] =	ssyncadd.s32 $0xFFFFD900  }
0x19: {  	[spmem:s17], [sflag:s6] =	dma.local @!p0 [hbm:s7], $0x100  }
0x1a: {  	_ =	swait.ge @!p0 [sflag:s0], $0x100  }
0x1b: {  	[sflag:s0] =	ssyncset.done @!p0 $0x0  }
0x1c: {  	[sflag:s0] =	ssyncadd.s32 @!p0 $0xFFFFFF00  }
0x1d: {  	[tilespmem:s18], [sflag:$0x5] =	stream.linear.gather [hbm4b:s8+s4], $0x2800, $0x38;
	[tilespmem:$0x1E1C0] =	vst v63  }
0x1e: {  	_ =	swait.ge [sflag:s16], $0x2800  }
0x1f: {  	[sflag:s16] =	ssyncset.done $0x0  }
0x20: {  	s31 =	simm.s32 $0x40;
	s0 =	simm.s32 $0x0;
	[sflag:s16] =	ssyncadd.s32 $0xFFFFD800  }
.LBB2_2:
0x21: {  	p1 =	sne.s32 s31, $0x9FC0;
	v1 =	vld [tilespmem:s0+$0x138C0];
	_ =	sdelay $0x1  }
.Ltmp0:
0x22: {  	(pc) =	sbr.rel @p1 .LBB2_2-.Ltmp0, $3  }
0x23: {  	_ =	sdelay $0x1  }
0x24: {  	v1 =	vadd.s32 v0, v1  }
0x25: {  	[tilespmem:s0+$0x138C0] =	vst v1;
	s0 =	sshra.s32 s31, $0x2;
	s31 =	sadd.s32 $0x40, s31  }
0x26: {  	v1 =	vld [tilespmem:s0+$0x138C0];
	_ =	sdelay $0x4  }
0x27: {  	v1 =	vadd.s32 v0, v1  }
0x28: {  	[tilespmem:s0+$0x138C0] =	vst v1  }
0x29: {  	[bflag:$0x0] =	sbarrier.arrive $0xFFFF  }
0x2a: {  	[tilespmem:s19], [sflag:$0x3] =	stream.linear.gather [hbm4b:s9+s4], $0x80, $0x38;
	[tilespmem:$0x1E1C0] =	vst v63  }
0x2b: {  	_ = 	snop  }
0x2c: {  	[tilespmem:s21], [sflag:$0x1] =	stream.indirect.gather [hbm4b:s2+s20], $0x80, s18, s20, $0xb8;
	[tilespmem:$0x1E1C0] =	vst v63  }
0x2d: {  	_ = 	snop  }
0x2e: {  	[tilespmem:s22], [sflag:$0x4] =	stream.linear.gather [hbm4b:s10+s4], $0x80, $0x38;
	[tilespmem:$0x1E1C0] =	vst v63  }
0x2f: {  	s1 =	simm.s32 $0x13940  }
0x30: {  	[tilespmem:s23], [sflag:$0x2] =	stream.indirect.gather [hbm4b:s2+s20], $0x80, s1, s20, $0xb8;
	[tilespmem:$0x1E1C0] =	vst v63  }
0x31: {  	_ =	swait.ge [sflag:s24], $0x4000  }
0x32: {  	[sflag:s24] =	ssyncset.done $0x0  }
0x33: {  	[sflag:s24] =	ssyncadd.s32 $0xFFFFC000  }
0x34: {  	_ =	swait.ge [sflag:s25], $0x80  }
0x35: {  	[sflag:s25] =	ssyncset.done $0x0  }
0x36: {  	[sflag:s25] =	ssyncadd.s32 $0xFFFFFF80  }
0x37: {  	[spmem:s3] =	stream.indirect.scatter.add.f32 [tilespmem:s21], [sflag:$0x5], $0x80, s19, s20, $0xb8;
	[tilespmem:$0x1E1C0] =	vst v63  }
0x38: {  	_ =	swait.ge [sflag:s16], $0x4000  }
0x39: {  	s0 =	sadd.s32 $0xFFFFFB20, s14;
	[sflag:s16] =	ssyncset.done $0x0  }
0x3a: {  	s1 =	sadd.s32 $0x500, s0;
	[sflag:s16] =	ssyncadd.s32 $0xFFFFC000  }
0x3b: {  	[tilespmem:s19], [sflag:$0x3] =	stream.linear.gather [hbm4b:s1+s4], $0x80, $0x38;
	[tilespmem:$0x1E1C0] =	vst v63  }
0x3c: {  	s29 =	simm.s32 $0x139C0  }
0x3d: {  	[tilespmem:s21], [sflag:$0x1] =	stream.indirect.gather [hbm4b:s2+s20], $0x80, s29, s20, $0xb8;
	[tilespmem:$0x1E1C0] =	vst v63  }
0x3e: {  	_ =	swait.ge [sflag:s26], $0x4000  }
0x3f: {  	[sflag:s26] =	ssyncset.done $0x0  }
0x40: {  	[sflag:s26] =	ssyncadd.s32 $0xFFFFC000  }
0x41: {  	_ =	swait.ge [sflag:s28], $0x80  }
0x42: {  	[sflag:s28] =	ssyncset.done $0x0  }
0x43: {  	[sflag:s28] =	ssyncadd.s32 $0xFFFFFF80  }
0x44: {  	[spmem:s3] =	stream.indirect.scatter.add.f32 [tilespmem:s23], [sflag:$0x5], $0x80, s22, s20, $0xb8;
	[tilespmem:$0x1E1C0] =	vst v63  }
0x45: {  	_ =	swait.ge [sflag:s16], $0x4000  }
0x46: {  	s31 =	simm.s32 $0xFFFFFB40;
	[sflag:s16] =	ssyncset.done $0x0  }
0x47: {  	s1 =	sadd.s32 $0x510, s0;
	s0 =	simm.s32 $0x13AC0;
	[sflag:s16] =	ssyncadd.s32 $0xFFFFC000  }
.LBB2_4:
0x48: {  	[tilespmem:s22], [sflag:$0x4] =	stream.linear.gather [hbm4b:s1+s4], $0x80, $0x38;
	[tilespmem:$0x1E1C0] =	vst v63  }
0x49: {  	s1 =	smov.u32 s31  }
0x4a: {  	s29 =	sadd.s32 $0xFFFFFF80, s0;
	p1 =	sne.s32 s31, $0xFFFFFFE0;
	s31 =	sadd.s32 $0x20, s31  }
0x4b: {  	[tilespmem:s23], [sflag:$0x2] =	stream.indirect.gather [hbm4b:s2+s20], $0x80, s29, s20, $0xb8;
	[tilespmem:$0x1E1C0] =	vst v63  }
0x4c: {  	_ =	swait.ge [sflag:s24], $0x4000  }
0x4d: {  	[sflag:s24] =	ssyncset.done $0x0  }
0x4e: {  	[sflag:s24] =	ssyncadd.s32 $0xFFFFC000  }
0x4f: {  	_ =	swait.ge [sflag:s25], $0x80  }
0x50: {  	[sflag:s25] =	ssyncset.done $0x0  }
0x51: {  	[sflag:s25] =	ssyncadd.s32 $0xFFFFFF80  }
0x52: {  	[spmem:s3] =	stream.indirect.scatter.add.f32 [tilespmem:s21], [sflag:$0x5], $0x80, s19, s20, $0xb8;
	[tilespmem:$0x1E1C0] =	vst v63  }
0x53: {  	_ =	swait.ge [sflag:s16], $0x4000  }
0x54: {  	s1 =	sadd.s32 s1, s14;
	[sflag:s16] =	ssyncset.done $0x0  }
0x55: {  	s29 =	sadd.s32 $0x500, s1;
	[sflag:s16] =	ssyncadd.s32 $0xFFFFC000  }
0x56: {  	[tilespmem:s19], [sflag:$0x3] =	stream.linear.gather [hbm4b:s29+s4], $0x80, $0x38;
	[tilespmem:$0x1E1C0] =	vst v63  }
0x57: {  	_ = 	snop  }
0x58: {  	[tilespmem:s21], [sflag:$0x1] =	stream.indirect.gather [hbm4b:s2+s20], $0x80, s0, s20, $0xb8;
	[tilespmem:$0x1E1C0] =	vst v63  }
0x59: {  	_ =	swait.ge [sflag:s26], $0x4000  }
0x5a: {  	[sflag:s26] =	ssyncset.done $0x0  }
0x5b: {  	[sflag:s26] =	ssyncadd.s32 $0xFFFFC000  }
0x5c: {  	_ =	swait.ge [sflag:s28], $0x80  }
0x5d: {  	[sflag:s28] =	ssyncset.done $0x0  }
.Ltmp1:
0x5e: {  	[sflag:s28] =	ssyncadd.s32 $0xFFFFFF80;
	(pc) =	sbr.rel @p1 .LBB2_4-.Ltmp1, $4  }
0x5f: {  	[spmem:s3] =	stream.indirect.scatter.add.f32 [tilespmem:s23], [sflag:$0x5], $0x80, s22, s20, $0xb8;
	[tilespmem:$0x1E1C0] =	vst v63  }
0x60: {  	_ =	swait.ge [sflag:s16], $0x4000  }
0x61: {  	[sflag:s16] =	ssyncset.done $0x0  }
0x62: {  	s1 =	sadd.s32 $0x510, s1;
	s0 =	sadd.s32 $0x100, s0;
	[sflag:s16] =	ssyncadd.s32 $0xFFFFC000  }
0x63: {  	[tilespmem:s22], [sflag:$0x4] =	stream.linear.gather [hbm4b:s1+s4], $0x80, $0x38;
	[tilespmem:$0x1E1C0] =	vst v63  }
0x64: {  	s0 =	simm.s32 $0x16040  }
0x65: {  	[tilespmem:s23], [sflag:$0x2] =	stream.indirect.gather [hbm4b:s2+s20], $0x80, s0, s20, $0xb8;
	[tilespmem:$0x1E1C0] =	vst v63  }
0x66: {  	_ =	swait.ge [sflag:s24], $0x4000  }
0x67: {  	[sflag:s24] =	ssyncset.done $0x0  }
0x68: {  	[sflag:s24] =	ssyncadd.s32 $0xFFFFC000  }
0x69: {  	_ =	swait.ge [sflag:s25], $0x80  }
0x6a: {  	[sflag:s25] =	ssyncset.done $0x0  }
0x6b: {  	[sflag:s25] =	ssyncadd.s32 $0xFFFFFF80  }
0x6c: {  	[spmem:s3] =	stream.indirect.scatter.add.f32 [tilespmem:s21], [sflag:$0x5], $0x80, s19, s20, $0xb8;
	[tilespmem:$0x1E1C0] =	vst v63  }
0x6d: {  	_ =	swait.ge [sflag:s16], $0x4000  }
0x6e: {  	[sflag:s16] =	ssyncset.done $0x0  }
0x6f: {  	[sflag:s16] =	ssyncadd.s32 $0xFFFFC000  }
0x70: {  	_ =	swait.ge [sflag:s26], $0x4000  }
0x71: {  	[sflag:s26] =	ssyncset.done $0x0  }
0x72: {  	[sflag:s26] =	ssyncadd.s32 $0xFFFFC000  }
0x73: {  	_ =	swait.ge [sflag:s28], $0x80  }
0x74: {  	[sflag:s28] =	ssyncset.done $0x0  }
0x75: {  	[sflag:s28] =	ssyncadd.s32 $0xFFFFFF80  }
0x76: {  	[spmem:s3] =	stream.indirect.scatter.add.f32 [tilespmem:s23], [sflag:$0x5], $0x80, s22, s20, $0xb8;
	[tilespmem:$0x1E1C0] =	vst v63  }
0x77: {  	_ =	swait.ge [sflag:s16], $0x4000  }
0x78: {  	[sflag:s16] =	ssyncset.done $0x0  }
0x79: {  	[sflag:s16] =	ssyncadd.s32 $0xFFFFC000  }
0x7a: {  	[bflag:$0x0] =	sbarrier.arrive $0xFFFF  }
0x7b: {  	[hbm:s11], [sflag:s6] =	dma.local [spmem:s15], $0x2700  }
0x7c: {  	s30 =	sadd.s32 $0x1, s30;
	_ =	swait.ge [sflag:s16], $0x2700  }
0x7d: {  	p1 =	sne.s32 s30, s13;
	[sflag:s16] =	ssyncset.done $0x0  }
.Ltmp2:
0x7e: {  	s0 =	simm.s32 @!p0 $0x5;
	[sflag:s16] =	ssyncadd.s32 $0xFFFFD900;
	(pc) =	sbr.rel @p1 .LBB2_1-.Ltmp2, $4  }
0x7f: {  	[hbm:s12], [sflag:s6] =	dma.local @!p0 [spmem:s17], $0x100  }
0x80: {  	_ =	swait.ge @!p0 [sflag:s0], $0x100  }
0x81: {  	[sflag:s0] =	ssyncset.done @!p0 $0x0  }
0x82: {  	[sflag:s0] =	ssyncadd.s32 @!p0 $0xFFFFFF00  }
0x83: {  	_ =	sfence.sel $0x180000  }
0x84: {  	[bflag:$0x0] =	sbarrier.arrive $0xFFFF  }
0x85: {  	_ =	strace $0x90000047  }
0x86: {  	s0 =	stileid.u32;
	[bflag:$0x2] =	sbarrier.arrive $0xFFFF  }
0x87: {  	p0 =	sne.s32 s0, $0x0;
	s0 =	rddreg [dreg:$0x3]  }
0x88: {  	s0 =	sadd.s32 @!p0 $0x100000, s0  }
0x89: {  	[sflag:s0] =	ssyncadd.tile.s32 @!p0 $0x1;
	_ =	shalt  }
.Lfunc_end2:
_tile_overlayer_lowered:
.L_overlay_start_2:
0x8a: {  	(tag) =	ssettag $0x2  }
0x8b: {  	s0 =	rddreg [dreg:$0x0];
	s2 =	stileid.u32  }
0x8c: {  	s1 =	rddreg [dreg:$0x1];
	p0 =	sne.s32 s2, $0x0  }
0x8d: {  	s3 =	rddreg [dreg:$0x2];
	[bflag:$0x3] =	sbarrier.arrive $0xFFFF;
	s2 =	simm.s32 @!p0 $0x1C05  }
0x8e: {  	[timem:s3], [sflag:s2] =	dma.local @!p0 [hbm:s0], s1  }
0x8f: {  	s0 =	simm.s32 @!p0 $0x5  }
0x90: {  	_ =	swait.ge @!p0 [sflag:s0], s1  }
0x91: {  	s1 =	ssub.s32 @!p0 $0x0, s1;
	[sflag:s0] =	ssyncset.done @!p0 $0x0  }
0x92: {  	[sflag:s0] =	ssyncadd.s32 @!p0 s1  }
0x93: {  	[bflag:$0x3] =	sbarrier.arrive $0xFFFF  }
0x94: {  	_ =	shalt  }

// kernel: kernel.9.cloned.1.call-start
scs
__scs_entry_jumppad:
0x0: {  	(pc) =	sbr.rel $0x88, $3  }
0x1: {  	(tag) =	ssettag $0x0;
	lr =	simm.s32 $0x1  }
0x2: {  	[smem:$0x3F9B] =	sst lr;
	_ =	strace $0xD0000000  }
0x3: {  	_ = 	snop  }
0x4: {  	_ = 	snop  }
0x5: {  	_ = 	snop  }
0x6: {  	_ = 	snop  }
0x7: {  	_ = 	snop  }
__scs_overlays_trampoline_lowered:
0x8: {  	[smem:$0x3FAA] =	sst s0  }
0x9: {  	[smem:$0x3FAB] =	sst s1  }
0xa: {  	[smem:$0x3FAC] =	sst s2  }
0xb: {  	[smem:$0x3FAD] =	sst s3  }
0xc: {  	[smem:$0x3FAE] =	sst s4  }
0xd: {  	[smem:$0x3FAF] =	sst s5  }
0xe: {  	[smem:$0x3FB0] =	sst s6  }
0xf: {  	[smem:$0x3FB1] =	sst s7  }
0x10: {  	[smem:$0x3FB2] =	sst s8  }
0x11: {  	[smem:$0x3FB3] =	sst s9;
	s0 =	simm.s32 @!p0 $0x0  }
0x12: {  	s1 =	sld [smem:$0x3F99];
	s0 =	simm.s32 @p0 $0x1  }
0x13: {  	[smem:$0x3FB4] =	sst s0;
	s0 =	simm.s32 @!p1 $0x0  }
0x14: {  	s2 =	sld [smem:$0x3F98];
	s0 =	simm.s32 @p1 $0x1  }
0x15: {  	[smem:$0x3FB5] =	sst s0;
	s0 =	simm.s32 @!p2 $0x0  }
0x16: {  	s3 =	sld [smem:$0x3FDB];
	s0 =	simm.s32 @p2 $0x1  }
0x17: {  	s4 =	simm.s32 $0x1BF5;
	[smem:$0x3FB7] =	sst s0  }
0x18: {  	s0 =	sld [smem:$0x3F9A];
	_ =	swait.ge [sflag:s4], $0x0  }
0x19: {  	s7 =	sld [smem:$0x3F9B]  }
0x1a: {  	s8 =	sadd.s32 $0xFFFFE003, lr  }
0x1b: {  	s9 =	sadd.s32 $0xFFFFFEF7, lr;
	s5 =	simm.s32 $0xFFFFFFFF;
	p2 =	slt.u32 s8, $0xFFFFF086  }
0x1c: {  	p1 =	slt.u32 s9, $0xF7A;
	s5 =	simm.s32 @!p2 $0x0  }
0x1d: {  	s5 =	simm.s32 @p1 $0x1;
	p0 =	seq.s32 s7, s2  }
0x1e: {  	s7 =	smul.u32 @!p0 $0xF7A, s2;
	p2 =	seq.s32 @!p0 s5, $0x0  }
0x1f: {  	s9 =	smul.u32 $0xF7A, s1;
	s8 =	simm.s32 @!p0 $0x1BF5;
	p2 =	por !p2, p0  }
0x20: {  	[sflag:s8] =	ssyncset.s32 @!p0 $0xFFFFF086;
	s6 =	sadd.s32 @!p0 s3, s7;
	s7 =	simm.s32 @!p0 $0x108  }
0x21: {  	s3 =	sadd.s32 s3, s9;
	s6 =	sadd.s32 @!p0 $0x88, s6;
	s7 =	simm.s32 @p2 $0x1082  }
0x22: {  	[simem:s7], [sflag:s8] =	dma.local @!p0 [hbm:s6], $0xF7A  }
0x23: {  	s9 =	sor.u32 $0xD0000000, s2;
	s6 =	simm.s32 $0x108;
	_ =	swait.ge @!p0 [sflag:s8], $0x0  }
0x24: {  	s3 =	sadd.s32 $0x88, s3;
	s6 =	simm.s32 @!p1 $0x1082;
	[sflag:s4] =	ssyncset.s32 $0xFFFFF086  }
0x25: {  	[simem:s6], [sflag:s4] =	dma.local [hbm:s3], $0xF7A  }
0x26: {  	[smem:$0x3F9B] =	sst s1;
	(tag) =	ssettag s2;
	_ =	strace s9  }
0x27: {  	s1 =	sld [smem:$0x3FAB]  }
0x28: {  	s2 =	sld [smem:$0x3FAC]  }
0x29: {  	s4 =	sld [smem:$0x3FAE]  }
0x2a: {  	p0 =	seq.s32 s5, $0x0;
	s5 =	sld [smem:$0x3FAF]  }
0x2b: {  	s6 =	sld [smem:$0x3FB0]  }
0x2c: {  	s7 =	sld [smem:$0x3FB1]  }
0x2d: {  	s3 =	simm.s32 $0x108;
	s8 =	sld [smem:$0x3FB2]  }
0x2e: {  	s3 =	simm.s32 @!p0 $0x1082;
	s9 =	sld [smem:$0x3FB3]  }
0x2f: {  	lr =	sadd.s32 s0, s3;
	s0 =	sld [smem:$0x3FAA]  }
0x30: {  	s3 =	sld [smem:$0x3FAD]  }
0x31: {  	[smem:$0x3FB6] =	sst s10  }
0x32: {  	s10 =	sld [smem:$0x3FB4];
	_ =	sdelay $0x3  }
0x33: {  	p0 =	seq.s32 s10, $0x1;
	s10 =	sld [smem:$0x3FB6];
	_ =	sdelay $0x3  }
0x34: {  	[smem:$0x3FB6] =	sst s10  }
0x35: {  	s10 =	sld [smem:$0x3FB5];
	_ =	sdelay $0x3  }
0x36: {  	p1 =	seq.s32 s10, $0x1;
	s10 =	sld [smem:$0x3FB6];
	_ =	sdelay $0x3  }
0x37: {  	[smem:$0x3FB6] =	sst s10  }
0x38: {  	s10 =	sld [smem:$0x3FB7]  }
0x39: {  	_ = 	snop;
	(pc) =	sbr.ind lr, $3  }
0x3a: {  	_ = 	snop  }
0x3b: {  	_ = 	snop  }
0x3c: {  	p2 =	seq.s32 s10, $0x1;
	s10 =	sld [smem:$0x3FB6]  }
0x3d: {  	_ =	shalt  }
0x3e: {  	_ =	shalt  }
0x3f: {  	_ =	shalt  }
0x40: {  	_ =	shalt  }
0x41: {  	_ =	shalt  }
0x42: {  	_ =	shalt  }
0x43: {  	_ =	shalt  }
0x44: {  	_ =	shalt  }
0x45: {  	_ =	shalt  }
0x46: {  	_ =	shalt  }
0x47: {  	_ =	shalt  }
0x48: {  	_ =	shalt  }
0x49: {  	_ =	shalt  }
0x4a: {  	_ =	shalt  }
0x4b: {  	_ =	shalt  }
0x4c: {  	_ =	shalt  }
0x4d: {  	_ =	shalt  }
0x4e: {  	_ =	shalt  }
0x4f: {  	_ =	shalt  }
0x50: {  	_ =	shalt  }
0x51: {  	_ =	shalt  }
0x52: {  	_ =	shalt  }
0x53: {  	_ =	shalt  }
0x54: {  	_ =	shalt  }
0x55: {  	_ =	shalt  }
0x56: {  	_ =	shalt  }
0x57: {  	_ =	shalt  }
0x58: {  	_ =	shalt  }
0x59: {  	_ =	shalt  }
0x5a: {  	_ =	shalt  }
0x5b: {  	_ =	shalt  }
0x5c: {  	_ =	shalt  }
0x5d: {  	_ =	shalt  }
0x5e: {  	_ =	shalt  }
0x5f: {  	_ =	shalt  }
0x60: {  	_ =	shalt  }
0x61: {  	_ =	shalt  }
0x62: {  	_ =	shalt  }
0x63: {  	_ =	shalt  }
0x64: {  	_ =	shalt  }
0x65: {  	_ =	shalt  }
0x66: {  	_ =	shalt  }
0x67: {  	_ =	shalt  }
0x68: {  	_ =	shalt  }
0x69: {  	_ =	shalt  }
0x6a: {  	_ =	shalt  }
0x6b: {  	_ =	shalt  }
0x6c: {  	_ =	shalt  }
0x6d: {  	_ =	shalt  }
0x6e: {  	_ =	shalt  }
0x6f: {  	_ =	shalt  }
0x70: {  	_ =	shalt  }
0x71: {  	_ =	shalt  }
0x72: {  	_ =	shalt  }
0x73: {  	_ =	shalt  }
0x74: {  	_ =	shalt  }
0x75: {  	_ =	shalt  }
0x76: {  	_ =	shalt  }
0x77: {  	_ =	shalt  }
0x78: {  	_ =	shalt  }
0x79: {  	_ =	shalt  }
0x7a: {  	_ =	shalt  }
0x7b: {  	_ =	shalt  }
0x7c: {  	_ =	shalt  }
0x7d: {  	_ =	shalt  }
0x7e: {  	_ =	shalt  }
0x7f: {  	_ =	shalt  }
0x80: {  	_ =	shalt  }
0x81: {  	_ =	shalt  }
0x82: {  	_ =	shalt  }
0x83: {  	_ =	shalt  }
0x84: {  	_ =	shalt  }
0x85: {  	_ =	shalt  }
0x86: {  	_ =	shalt  }
0x87: {  	_ =	shalt  }
.Lfunc_end0:
.L_simem_size_0:
called_computation.1_lowered:
.L_overlay_start_0:
0x88: {  	s2 =	sld [smem:$0x3FD9]  }
0x89: {  	s3 =	sld [smem:$0x3FFE];
	_ =	sdelay $0x1  }
0x8a: {  	s1 =	srdreg.scid  }
0x8b: {  	s0 =	sand.u32 $0x1, s1  }
0x8c: {  	s17 =	sshll.u32 s0, $0xA;
	s2 =	sadd.s32 s3, s2  }
0x8d: {  	s2 =	sadd.s32 s2, s17  }
0x8e: {  	[smem:$0x3FC2] =	sst s2  }
0x8f: {  	_ = 	snop  }
0x90: {  	s2 =	sld [smem:$0x3FD0];
	(tm) =	ssettm $0x1  }
0x91: {  	s18 =	sld [smem:$0x3FFB];
	_ =	sdelay $0x3  }
0x92: {  	_ =	strace s18  }
0x93: {  	s3 =	sld [smem:$0x3FFC];
	_ =	sdelay $0x3  }
0x94: {  	_ =	strace s3  }
0x95: {  	s3 =	sld [smem:$0x3FFD];
	_ =	sdelay $0x3  }
0x96: {  	_ =	strace s3  }
0x97: {  	_ =	strace $0x8FFFFFFF  }
0x98: {  	s19 =	sld [smem:$0x3FDB];
	_ =	sdelay $0x1  }
0x99: {  	s4 =	simm.s32 $_scs_section_size  }
0x9a: {  	s5 =	simm.s32 $_size__tile_overlayer_lowered;
	s6 =	simm.s32 $_tile_overlayer_lowered  }
0x9b: {  	s22 =	simm.s32 $0x1BFF;
	s21 =	sshll.u32 s6, $0x1;
	s3 =	sadd.s32 s4, s19  }
0x9c: {  	s7 =	simm.s32 $0x0;
	s20 =	sshll.u32 s5, $0x1;
	s5 =	sadd.s32 s21, s3  }
0x9d: {  	[timem:s7], [sflag:s22] =	dma.local [hbm:s5], s20  }
0x9e: {  	_ =	swait.ge [sflag:s22], s20  }
0x9f: {  	s4 =	ssub.s32 $0x0, s20;
	[sflag:s22] =	ssyncset.done $0x0  }
0xa0: {  	[sflag:s22] =	ssyncadd.s32 s4;
	_ =	sdelay $0x1  }
0xa1: {  	s23 =	simm.s32 $0x1B8B  }
0xa2: {  	_ =	swait.ge [sflag:s23], $0x1  }
0xa3: {  	[sflag:s23] =	ssyncset.done $0x0  }
0xa4: {  	s25 =	simm.s32 $0x1B8E;
	s24 =	sld [smem:$0x3FFE];
	[sflag:s23] =	ssyncadd.s32 $0xFFFFFFFF  }
0xa5: {  	s26 =	simm.s32 $execute0_lowered;
	[smem:$0x3FD2] =	sst s25  }
0xa6: {  	s5 =	sshll.u32 s26, $0x1;
	_ =	strace $0x80000049;
	[dreg:$0x1] =	wrdreg $0xFFFFFFFF  }
0xa7: {  	s28 =	simm.s32 $_size_execute0_lowered;
	s3 =	sadd.s32 s3, s5;
	[dreg:$0x0] =	wrdreg $0x0  }
0xa8: {  	s5 =	sshll.u32 s28, $0x1;
	[dreg:$0x2] =	wrdreg s3  }
0xa9: {  	[dreg:$0x3] =	wrdreg s5  }
0xaa: {  	[dreg:$0x4] =	wrdreg $0xC0  }
0xab: {  	_ =	task [dreg:s7], $0x5FFFF  }
0xac: {  	[dreg:$0x1] =	wrdreg $0xFFFFFFFF  }
0xad: {  	[dreg:$0x0] =	wrdreg $0x60  }
0xae: {  	[dreg:$0x2] =	wrdreg s24  }
0xaf: {  	[dreg:$0x3] =	wrdreg s2  }
0xb0: {  	[dreg:$0x4] =	wrdreg $0x0  }
0xb1: {  	[dreg:$0x5] =	wrdreg $0x9  }
0xb2: {  	_ =	task.clear_ibuf [dreg:s7], $0x6FFFF;
	_ =	strace $0x90000049  }
0xb3: {  	s29 =	simm.s32 $0x9;
	_ =	strace $0x8000004B  }
0xb4: {  	_ =	swait.ge [sflag:s29], $0x1  }
0xb5: {  	[sflag:s29] =	ssyncadd.s32 $0xFFFFFFFF  }
0xb6: {  	_ =	strace $0x9000004B  }
0xb7: {  	_ =	sfence  }
0xb8: {  	s30 =	sld [smem:$0x0];
	_ =	sdelay $0x2  }
0xb9: {  	s31 =	sshll.u32 s1, $0xD;
	s1 =	sshrl.u32 s1, $0x2  }
0xba: {  	s3 =	sand.u32 $0x4000, s31;
	s1 =	sadd.s32 s1, s30  }
0xbb: {  	s0 =	sor.u32 s3, s0;
	s1 =	sshll.u32 s1, $0x11  }
0xbc: {  	s0 =	sor.u32 s1, s0  }
0xbd: {  	s0 =	sadd.s32 $0x8F2B, s0  }
0xbe: {  	[sflag:s0] =	ssyncadd.remote.s32 $0x1  }
0xbf: {  	_ =	sfence.sel $0xFFFF  }
0xc0: {  	[dreg:$0x0] =	wrdreg $0xFFFFFFFF;
	(pc) =	sbr.abs _section_cstart, $3  }
0xc1: {  	[dreg:$0x1] =	wrdreg $0xFFFFFFFF  }
0xc2: {  	_ =	task.clear_ibuf [dreg:s7], $0x2FFFF;
	_ =	strace $0x9FFFFFFF  }
0xc3: {  	(tm) =	ssettm $0x7FFFFFFF  }
tec
execute0_lowered:
.L_overlay_start_1:
0x0: {  	(tag) =	ssettag $0x1  }
0x1: {  	s0 =	rddreg [dreg:$0x0]  }
0x2: {  	s1 =	rddreg [dreg:$0x1]  }
0x3: {  	s2 =	rddreg [dreg:$0x2];
	s3 =	simm.s32 $0x0;
	s18 =	stileid.u32  }
0x4: {  	s4 =	srdreg.scid;
	s19 =	simm.s32 $0x160C0;
	s5 =	smul.u32 $0x2800, s18  }
0x5: {  	s20 =	simm.s32 $0x80;
	s28 =	simm.s32 $0x4;
	s21 =	smul.u32 $0x4E000, s18  }
0x6: {  	[smem:$0x7FF] =	sst s3;
	s10 =	sand.u32 $0x1, s4;
	s7 =	smul.u32 $0x270, s18  }
0x7: {  	s4 =	sadd.s32 $0x1A00, s0;
	s14 =	sadd.s32 $0x54C00, s0;
	s25 =	smul.u32 $0x27000, s18  }
0x8: {  	s23 =	sshll.u32 s18, $0x6;
	s17 =	sadd.s32 $0x138000, s2;
	s16 =	smul.u32 $0x500, s18  }
0x9: {  	p0 =	sne.s32 s18, $0xF;
	s18 =	simm.s32 $0x138C0;
	s29 =	smul.u32 $0x2710, s10  }
0xa: {  	_ =	strace $0x8000004A;
	s6 =	ssub.s32 $0x2, s10;
	s12 =	smul.u32 $0x138800, s10  }
0xb: {  	s26 =	sshll.u32 s10, $0xA;
	s30 =	sshll.u32 s10, $0x7;
	s17 =	sshrl.u32 @!p0 s17, $0x3  }
0xc: {  	s9 =	sshrl.u32 s5, $0x3;
	s11 =	sshrl.u32 s6, $0x1;
	s5 =	sshrl.u32 s21, $0x2  }
0xd: {  	s31 =	sadd.s32 s30, s1;
	s21 =	simm.s32 $0x161C0;
	s8 =	sadd.s32 s9, s0  }
0xe: {  	s0 =	sadd.s32 $0xA7E00, s0;
	s7 =	sadd.s32 s7, s29;
	s13 =	ssub.s32 s6, s11  }
0xf: {  	s15 =	sadd.s32 s5, s2;
	s24 =	sshrl.u32 s12, $0x3;
	s6 =	sor.u32 $0x1C05, s23  }
0x10: {  	s9 =	sadd.s32 s14, s9;
	s12 =	sadd.s32 $0x4E000, s31;
	s14 =	sadd.s32 s16, s14  }
0x11: {  	s16 =	simm.s32 $0x5;
	s23 =	simm.s32 $0x1A1C0;
	s22 =	sshll.u32 s7, $0x4  }
0x12: {  	s8 =	sadd.s32 $0x4FC00, s8;
	s10 =	sadd.s32 $0x10, s9;
	s13 =	smax.u32 s13, $0x1  }
0x13: {  	s15 =	sshrl.u32 s15, $0x3;
	s5 =	sadd.s32 s0, s22;
	s0 =	sadd.s32 s0, s24  }
0x14: {  	s22 =	simm.s32 $0x16140;
	s7 =	sadd.s32 $0x27000, s0;
	s0 =	sor.u32 s26, s25  }
0x15: {  	s24 =	simm.s32 $0x1;
	s25 =	simm.s32 $0x3;
	s0 =	sshrl.u32 s0, $0x3  }
0x16: {  	v0 =	vmov s29;
	s26 =	simm.s32 $0x2;
	s11 =	sadd.s32 s1, s0;
	s0 =	simm.s32 $0x0  }
.LBB2_1:
0x17: {  	[spmem:s15], [sflag:s6] =	dma.local [hbm:s5], $0x2700  }
0x18: {  	_ =	swait.ge [sflag:s16], $0x2700  }
0x19: {  	[sflag:s16] =	ssyncset.done $0x0  }
0x1a: {  	s1 =	simm.s32 @!p0 $0x5;
	[sflag:s16] =	ssyncadd.s32 $0xFFFFD900  }
0x1b: {  	[spmem:s17], [sflag:s6] =	dma.local @!p0 [hbm:s7], $0x100  }
0x1c: {  	_ =	swait.ge @!p0 [sflag:s1], $0x100  }
0x1d: {  	[sflag:s1] =	ssyncset.done @!p0 $0x0  }
0x1e: {  	[sflag:s1] =	ssyncadd.s32 @!p0 $0xFFFFFF00  }
0x1f: {  	[tilespmem:s18], [sflag:$0x5] =	stream.linear.gather [hbm4b:s8+s3], $0x2800, $0x38;
	[tilespmem:$0x1E1C0] =	vst v63  }
0x20: {  	_ =	swait.ge [sflag:s16], $0x2800  }
0x21: {  	[sflag:s16] =	ssyncset.done $0x0  }
0x22: {  	s29 =	simm.s32 $0x40;
	s1 =	simm.s32 $0x0;
	[sflag:s16] =	ssyncadd.s32 $0xFFFFD800  }
.LBB2_2:
0x23: {  	p1 =	sne.s32 s29, $0x9FC0;
	v1 =	vld [tilespmem:s1+$0x138C0];
	_ =	sdelay $0x1  }
.Ltmp0:
0x24: {  	(pc) =	sbr.rel @p1 .LBB2_2-.Ltmp0, $3  }
0x25: {  	_ =	sdelay $0x1  }
0x26: {  	v1 =	vadd.s32 v0, v1  }
0x27: {  	[tilespmem:s1+$0x138C0] =	vst v1;
	s1 =	sshra.s32 s29, $0x2;
	s29 =	sadd.s32 $0x40, s29  }
0x28: {  	v1 =	vld [tilespmem:s1+$0x138C0];
	_ =	sdelay $0x4  }
0x29: {  	v1 =	vadd.s32 v0, v1  }
0x2a: {  	[tilespmem:s1+$0x138C0] =	vst v1  }
0x2b: {  	[bflag:$0x0] =	sbarrier.arrive $0xFFFF  }
0x2c: {  	[tilespmem:s19], [sflag:$0x3] =	stream.linear.gather [hbm4b:s9+s3], $0x80, $0x38;
	[tilespmem:$0x1E1C0] =	vst v63  }
0x2d: {  	_ = 	snop  }
0x2e: {  	[tilespmem:s21], [sflag:$0x1] =	stream.indirect.gather [hbm4b:s4+s20], $0x80, s18, s20, $0xb8;
	[tilespmem:$0x1E1C0] =	vst v63  }
0x2f: {  	_ = 	snop  }
0x30: {  	[tilespmem:s22], [sflag:$0x4] =	stream.linear.gather [hbm4b:s10+s3], $0x80, $0x38;
	[tilespmem:$0x1E1C0] =	vst v63  }
0x31: {  	s31 =	simm.s32 $0x13940  }
0x32: {  	[tilespmem:s23], [sflag:$0x2] =	stream.indirect.gather [hbm4b:s4+s20], $0x80, s31, s20, $0xb8;
	[tilespmem:$0x1E1C0] =	vst v63  }
0x33: {  	_ =	swait.ge [sflag:s24], $0x4000  }
0x34: {  	[sflag:s24] =	ssyncset.done $0x0  }
0x35: {  	[sflag:s24] =	ssyncadd.s32 $0xFFFFC000  }
0x36: {  	_ =	swait.ge [sflag:s25], $0x80  }
0x37: {  	[sflag:s25] =	ssyncset.done $0x0  }
0x38: {  	[sflag:s25] =	ssyncadd.s32 $0xFFFFFF80  }
0x39: {  	[spmem:s2] =	stream.indirect.scatter.add.f32 [tilespmem:s21], [sflag:$0x5], $0x80, s19, s20, $0xb8;
	[tilespmem:$0x1E1C0] =	vst v63  }
0x3a: {  	_ =	swait.ge [sflag:s16], $0x4000  }
0x3b: {  	s29 =	sadd.s32 $0xFFFFFB20, s14;
	[sflag:s16] =	ssyncset.done $0x0  }
0x3c: {  	s31 =	sadd.s32 $0x500, s29;
	[sflag:s16] =	ssyncadd.s32 $0xFFFFC000  }
0x3d: {  	[tilespmem:s19], [sflag:$0x3] =	stream.linear.gather [hbm4b:s31+s3], $0x80, $0x38;
	[tilespmem:$0x1E1C0] =	vst v63  }
0x3e: {  	s31 =	simm.s32 $0x139C0  }
0x3f: {  	[tilespmem:s21], [sflag:$0x1] =	stream.indirect.gather [hbm4b:s4+s20], $0x80, s31, s20, $0xb8;
	[tilespmem:$0x1E1C0] =	vst v63  }
0x40: {  	_ =	swait.ge [sflag:s26], $0x4000  }
0x41: {  	[sflag:s26] =	ssyncset.done $0x0  }
0x42: {  	[sflag:s26] =	ssyncadd.s32 $0xFFFFC000  }
0x43: {  	_ =	swait.ge [sflag:s28], $0x80  }
0x44: {  	[sflag:s28] =	ssyncset.done $0x0  }
0x45: {  	[sflag:s28] =	ssyncadd.s32 $0xFFFFFF80  }
0x46: {  	[spmem:s2] =	stream.indirect.scatter.add.f32 [tilespmem:s23], [sflag:$0x5], $0x80, s22, s20, $0xb8;
	[tilespmem:$0x1E1C0] =	vst v63  }
0x47: {  	_ =	swait.ge [sflag:s16], $0x4000  }
0x48: {  	s30 =	sadd.s32 $0x510, s29;
	[sflag:s16] =	ssyncset.done $0x0  }
0x49: {  	s1 =	simm.s32 $0xFFFFFB40;
	s29 =	simm.s32 $0x13AC0;
	[sflag:s16] =	ssyncadd.s32 $0xFFFFC000  }
.LBB2_4:
0x4a: {  	[tilespmem:s22], [sflag:$0x4] =	stream.linear.gather [hbm4b:s30+s3], $0x80, $0x38;
	[tilespmem:$0x1E1C0] =	vst v63  }
0x4b: {  	s30 =	smov.u32 s1  }
0x4c: {  	s31 =	sadd.s32 $0xFFFFFF80, s29;
	p1 =	sne.s32 s1, $0xFFFFFFE0;
	s1 =	sadd.s32 $0x20, s1  }
0x4d: {  	[tilespmem:s23], [sflag:$0x2] =	stream.indirect.gather [hbm4b:s4+s20], $0x80, s31, s20, $0xb8;
	[tilespmem:$0x1E1C0] =	vst v63  }
0x4e: {  	_ =	swait.ge [sflag:s24], $0x4000  }
0x4f: {  	[sflag:s24] =	ssyncset.done $0x0  }
0x50: {  	[sflag:s24] =	ssyncadd.s32 $0xFFFFC000  }
0x51: {  	_ =	swait.ge [sflag:s25], $0x80  }
0x52: {  	[sflag:s25] =	ssyncset.done $0x0  }
0x53: {  	[sflag:s25] =	ssyncadd.s32 $0xFFFFFF80  }
0x54: {  	[spmem:s2] =	stream.indirect.scatter.add.f32 [tilespmem:s21], [sflag:$0x5], $0x80, s19, s20, $0xb8;
	[tilespmem:$0x1E1C0] =	vst v63  }
0x55: {  	_ =	swait.ge [sflag:s16], $0x4000  }
0x56: {  	s30 =	sadd.s32 s30, s14;
	[sflag:s16] =	ssyncset.done $0x0  }
0x57: {  	s31 =	sadd.s32 $0x500, s30;
	[sflag:s16] =	ssyncadd.s32 $0xFFFFC000  }
0x58: {  	[tilespmem:s19], [sflag:$0x3] =	stream.linear.gather [hbm4b:s31+s3], $0x80, $0x38;
	[tilespmem:$0x1E1C0] =	vst v63  }
0x59: {  	_ = 	snop  }
0x5a: {  	[tilespmem:s21], [sflag:$0x1] =	stream.indirect.gather [hbm4b:s4+s20], $0x80, s29, s20, $0xb8;
	[tilespmem:$0x1E1C0] =	vst v63  }
0x5b: {  	_ =	swait.ge [sflag:s26], $0x4000  }
0x5c: {  	[sflag:s26] =	ssyncset.done $0x0  }
0x5d: {  	[sflag:s26] =	ssyncadd.s32 $0xFFFFC000  }
0x5e: {  	_ =	swait.ge [sflag:s28], $0x80  }
0x5f: {  	[sflag:s28] =	ssyncset.done $0x0  }
.Ltmp1:
0x60: {  	[sflag:s28] =	ssyncadd.s32 $0xFFFFFF80;
	(pc) =	sbr.rel @p1 .LBB2_4-.Ltmp1, $4  }
0x61: {  	[spmem:s2] =	stream.indirect.scatter.add.f32 [tilespmem:s23], [sflag:$0x5], $0x80, s22, s20, $0xb8;
	[tilespmem:$0x1E1C0] =	vst v63  }
0x62: {  	_ =	swait.ge [sflag:s16], $0x4000  }
0x63: {  	[sflag:s16] =	ssyncset.done $0x0  }
0x64: {  	s30 =	sadd.s32 $0x510, s30;
	s29 =	sadd.s32 $0x100, s29;
	[sflag:s16] =	ssyncadd.s32 $0xFFFFC000  }
0x65: {  	[tilespmem:s22], [sflag:$0x4] =	stream.linear.gather [hbm4b:s30+s3], $0x80, $0x38;
	[tilespmem:$0x1E1C0] =	vst v63  }
0x66: {  	s1 =	simm.s32 $0x16040  }
0x67: {  	[tilespmem:s23], [sflag:$0x2] =	stream.indirect.gather [hbm4b:s4+s20], $0x80, s1, s20, $0xb8;
	[tilespmem:$0x1E1C0] =	vst v63  }
0x68: {  	_ =	swait.ge [sflag:s24], $0x4000  }
0x69: {  	[sflag:s24] =	ssyncset.done $0x0  }
0x6a: {  	[sflag:s24] =	ssyncadd.s32 $0xFFFFC000  }
0x6b: {  	_ =	swait.ge [sflag:s25], $0x80  }
0x6c: {  	[sflag:s25] =	ssyncset.done $0x0  }
0x6d: {  	[sflag:s25] =	ssyncadd.s32 $0xFFFFFF80  }
0x6e: {  	[spmem:s2] =	stream.indirect.scatter.add.f32 [tilespmem:s21], [sflag:$0x5], $0x80, s19, s20, $0xb8;
	[tilespmem:$0x1E1C0] =	vst v63  }
0x6f: {  	_ =	swait.ge [sflag:s16], $0x4000  }
0x70: {  	[sflag:s16] =	ssyncset.done $0x0  }
0x71: {  	[sflag:s16] =	ssyncadd.s32 $0xFFFFC000  }
0x72: {  	_ =	swait.ge [sflag:s26], $0x4000  }
0x73: {  	[sflag:s26] =	ssyncset.done $0x0  }
0x74: {  	[sflag:s26] =	ssyncadd.s32 $0xFFFFC000  }
0x75: {  	_ =	swait.ge [sflag:s28], $0x80  }
0x76: {  	[sflag:s28] =	ssyncset.done $0x0  }
0x77: {  	[sflag:s28] =	ssyncadd.s32 $0xFFFFFF80  }
0x78: {  	[spmem:s2] =	stream.indirect.scatter.add.f32 [tilespmem:s23], [sflag:$0x5], $0x80, s22, s20, $0xb8;
	[tilespmem:$0x1E1C0] =	vst v63  }
0x79: {  	_ =	swait.ge [sflag:s16], $0x4000  }
0x7a: {  	[sflag:s16] =	ssyncset.done $0x0  }
0x7b: {  	[sflag:s16] =	ssyncadd.s32 $0xFFFFC000  }
0x7c: {  	s31 =	simm.s32 $0x8;
	s29 =	simm.s32 $0x100;
	[bflag:$0x0] =	sbarrier.arrive $0xFFFF  }
0x7d: {  	[hbm:s11@s29], [sflag:s6] =	dma.strided [spmem:s15@s20], $0x2700, s31, $0x10   }
0x7e: {  	s0 =	sadd.s32 $0x1, s0;
	_ =	swait.ge [sflag:s16], $0x2700  }
0x7f: {  	s30 =	simm.s32 @!p0 $0x80;
	p1 =	sne.s32 s0, s13;
	[sflag:s16] =	ssyncset.done $0x0  }
0x80: {  	s1 =	simm.s32 @!p0 $0x8;
	s29 =	simm.s32 @!p0 $0x100;
	[sflag:s16] =	ssyncadd.s32 $0xFFFFD900  }
0x81: {  	[hbm:s12@s29], [sflag:s6] =	dma.strided @!p0 [spmem:s17@s30], $0x100, s1, $0x10   }
.Ltmp2:
0x82: {  	_ = 	snop;
	(pc) =	sbr.rel @p1 .LBB2_1-.Ltmp2, $4  }
0x83: {  	s1 =	simm.s32 @!p0 $0x5  }
0x84: {  	_ =	swait.ge @!p0 [sflag:s1], $0x100  }
0x85: {  	[sflag:s1] =	ssyncset.done @!p0 $0x0  }
0x86: {  	[sflag:s1] =	ssyncadd.s32 @!p0 $0xFFFFFF00  }
0x87: {  	_ =	sfence.sel $0x180000  }
0x88: {  	[bflag:$0x0] =	sbarrier.arrive $0xFFFF  }
0x89: {  	_ =	strace $0x9000004A  }
0x8a: {  	s0 =	stileid.u32;
	[bflag:$0x2] =	sbarrier.arrive $0xFFFF  }
0x8b: {  	p0 =	sne.s32 s0, $0x0;
	s0 =	rddreg [dreg:$0x3]  }
0x8c: {  	s0 =	sadd.s32 @!p0 $0x100000, s0  }
0x8d: {  	[sflag:s0] =	ssyncadd.tile.s32 @!p0 $0x1;
	_ =	shalt  }
.Lfunc_end2:
_tile_overlayer_lowered:
.L_overlay_start_2:
0x8e: {  	(tag) =	ssettag $0x2  }
0x8f: {  	s0 =	rddreg [dreg:$0x0];
	s2 =	stileid.u32  }
0x90: {  	s1 =	rddreg [dreg:$0x1];
	p0 =	sne.s32 s2, $0x0  }
0x91: {  	s3 =	rddreg [dreg:$0x2];
	[bflag:$0x3] =	sbarrier.arrive $0xFFFF;
	s2 =	simm.s32 @!p0 $0x1C05  }
0x92: {  	[timem:s3], [sflag:s2] =	dma.local @!p0 [hbm:s0], s1  }
0x93: {  	s0 =	simm.s32 @!p0 $0x5  }
0x94: {  	_ =	swait.ge @!p0 [sflag:s0], s1  }
0x95: {  	s1 =	ssub.s32 @!p0 $0x0, s1;
	[sflag:s0] =	ssyncset.done @!p0 $0x0  }
0x96: {  	[sflag:s0] =	ssyncadd.s32 @!p0 s1  }
0x97: {  	[bflag:$0x3] =	sbarrier.arrive $0xFFFF  }
0x98: {  	_ =	shalt  }

</sc_bundles>
